<compile_context>
chip_gen: v7x
topology: tpu7x:2x2x1
jax: 0.10.2.dev20260603
libtpu: 0.0.44.dev20260713+nightly
codegen_flags: <defaults>
</compile_context>

<pallas_src>
import functools

import jax
import jax.numpy as jnp
from jax import lax
from jax.experimental import pallas as pl
from jax.experimental.pallas import tpu as pltpu
from jax.experimental.pallas import tpu_sc as plsc

N = 10000
E = 160000
LATENT = 256
HIDDEN = 256
OUT = 128

NTILES = 16
CH = 128
NCHP = 40
TRA = 40
EP = 32 * NCHP * CH
NPAD = N + 8
RB = 1000
RPT = 640
RPT_LAST = N - 15 * RPT


def _sc_mesh():
    return plsc.VectorSubcoreMesh(core_axis_name="c", subcore_axis_name="s")


def _copy_share(sid, src, dst):

    @pl.when(sid < 15)
    def _():
        off = pl.multiple_of(sid * RPT, 8)
        pltpu.sync_copy(src.at[pl.ds(off, RPT)], dst.at[pl.ds(off, RPT)])

    @pl.when(sid == 15)
    def _():
        pltpu.sync_copy(src.at[pl.ds(15 * RPT, RPT_LAST)],
                        dst.at[pl.ds(15 * RPT, RPT_LAST)])


DEGW = 128


@functools.partial(
    pl.kernel,
    out_type=jax.ShapeDtypeStruct((2, N, DEGW), jnp.float32),
    mesh=_sc_mesh(),
    scratch_types=[
        pltpu.VMEM((NCHP, CH), jnp.int32),
        pltpu.VMEM((CH, DEGW), jnp.float32),
        pltpu.VMEM_SHARED((NPAD, DEGW), jnp.float32),
    ],
)
def _deg_kernel(dst_hbm, ones_hbm, zeros_hbm, out_hbm, dstv, ones, acc):
    cid = lax.axis_index("c")
    sid = lax.axis_index("s")
    pltpu.sync_copy(dst_hbm.at[cid * NTILES + sid], dstv)
    pltpu.sync_copy(ones_hbm, ones)
    _copy_share(sid, zeros_hbm, acc)
    plsc.subcore_barrier()

    def count(j, carry):
        pltpu.sync_copy(ones, acc.at[dstv.at[j]], add=True)
        return carry

    lax.fori_loop(0, NCHP, count, 0)
    plsc.subcore_barrier()
    _copy_share(sid, acc, out_hbm.at[cid])


def _gs_serial(nch, plane, srcv, dstv, rows, acc, sem):
    def chunk(j, carry):
        pltpu.async_copy(plane.at[srcv.at[j]], rows, sem).wait()
        pltpu.sync_copy(rows, acc.at[dstv.at[j]], add=True)
        return carry

    lax.fori_loop(0, nch, chunk, 0)


@functools.partial(
    pl.kernel,
    out_type=jax.ShapeDtypeStruct((2, N, HIDDEN // 2), jnp.float32),
    mesh=_sc_mesh(),
    scratch_types=[
        pltpu.VMEM((TRA, CH), jnp.int32),
        pltpu.VMEM((TRA, CH), jnp.int32),
        pltpu.VMEM((CH, HIDDEN // 2), jnp.float32),
        pltpu.VMEM_SHARED((NPAD, HIDDEN // 2), jnp.float32),
        pltpu.SemaphoreType.DMA,
    ],
)
def _agg1_kernel(y_hbm, src_hbm, dst_hbm, zeros_hbm, out_hbm,
                 srcv, dstv, rows, acc, sem):
    cid = lax.axis_index("c")
    sid = lax.axis_index("s")
    plane = y_hbm.at[cid]
    pltpu.sync_copy(src_hbm.at[sid].at[pl.ds(0, TRA)], srcv)
    pltpu.sync_copy(dst_hbm.at[sid].at[pl.ds(0, TRA)], dstv)
    _copy_share(sid, zeros_hbm, acc)
    plsc.subcore_barrier()
    _gs_serial(TRA, plane, srcv, dstv, rows, acc, sem)
    pltpu.sync_copy(src_hbm.at[sid].at[pl.ds(TRA, TRA)], srcv)
    pltpu.sync_copy(dst_hbm.at[sid].at[pl.ds(TRA, TRA)], dstv)
    _gs_serial(TRA, plane, srcv, dstv, rows, acc, sem)
    plsc.subcore_barrier()
    _copy_share(sid, acc, out_hbm.at[cid])


@functools.partial(
    pl.kernel,
    out_type=jax.ShapeDtypeStruct((2, N, OUT), jnp.float32),
    mesh=_sc_mesh(),
    scratch_types=[
        pltpu.VMEM((NCHP, CH), jnp.int32),
        pltpu.VMEM((NCHP, CH), jnp.int32),
        pltpu.VMEM((CH, OUT), jnp.float32),
        pltpu.VMEM_SHARED((NPAD, OUT), jnp.float32),
        pltpu.SemaphoreType.DMA,
    ],
)
def _agg2_kernel(y_hbm, src_hbm, dst_hbm, zeros_hbm, out_hbm,
                 srcv, dstv, rows, acc, sem):
    cid = lax.axis_index("c")
    sid = lax.axis_index("s")
    w = cid * NTILES + sid
    pltpu.sync_copy(src_hbm.at[w], srcv)
    pltpu.sync_copy(dst_hbm.at[w], dstv)
    _copy_share(sid, zeros_hbm, acc)
    plsc.subcore_barrier()
    _gs_serial(NCHP, y_hbm, srcv, dstv, rows, acc, sem)
    plsc.subcore_barrier()
    _copy_share(sid, acc, out_hbm.at[cid])


def _b_body(x_ref, w_ref, deg_ref, y_ref, dinv_ref):
    total = deg_ref[0, :, 0:1] + deg_ref[1, :, 0:1]
    dcol = lax.rsqrt(total + 1.0)
    dinv_ref[...] = dcol
    y = dcol * jnp.dot(x_ref[...], w_ref[...],
                       preferred_element_type=jnp.float32)
    y_ref[0] = y[:, :HIDDEN // 2]
    y_ref[1] = y[:, HIDDEN // 2:]


def _d_body(agg_ref, y1_ref, dinv_ref, b1_ref, w2_ref, y2_ref):
    dinv = dinv_ref[...]
    s = jnp.concatenate([agg_ref[0] + y1_ref[0], agg_ref[1] + y1_ref[1]],
                        axis=1)
    h = jnp.maximum(dinv * s + b1_ref[...], 0.0)
    y2_ref[...] = dinv * jnp.dot(h, w2_ref[...],
                                 preferred_element_type=jnp.float32)


def _f_body(agg_ref, y2_ref, dinv_ref, b2_ref, out_ref):
    s = agg_ref[0] + agg_ref[1] + y2_ref[...]
    out_ref[...] = dinv_ref[...] * s + b2_ref[...]


def _tc_b(x, w1, degp):
    return pl.pallas_call(
        _b_body,
        grid=(N // RB,),
        in_specs=[
            pl.BlockSpec((RB, LATENT), lambda i: (i, 0)),
            pl.BlockSpec((LATENT, HIDDEN), lambda i: (0, 0)),
            pl.BlockSpec((2, RB, DEGW), lambda i: (0, i, 0)),
        ],
        out_specs=[
            pl.BlockSpec((2, RB, HIDDEN // 2), lambda i: (0, i, 0)),
            pl.BlockSpec((RB, 1), lambda i: (i, 0)),
        ],
        out_shape=[
            jax.ShapeDtypeStruct((2, N, HIDDEN // 2), jnp.float32),
            jax.ShapeDtypeStruct((N, 1), jnp.float32),
        ],
    )(x, w1, degp)


def _tc_d(agg1, y1, dinv, b1, w2):
    return pl.pallas_call(
        _d_body,
        grid=(N // RB,),
        in_specs=[
            pl.BlockSpec((2, RB, HIDDEN // 2), lambda i: (0, i, 0)),
            pl.BlockSpec((2, RB, HIDDEN // 2), lambda i: (0, i, 0)),
            pl.BlockSpec((RB, 1), lambda i: (i, 0)),
            pl.BlockSpec((1, HIDDEN), lambda i: (0, 0)),
            pl.BlockSpec((HIDDEN, OUT), lambda i: (0, 0)),
        ],
        out_specs=pl.BlockSpec((RB, OUT), lambda i: (i, 0)),
        out_shape=jax.ShapeDtypeStruct((N, OUT), jnp.float32),
    )(agg1, y1, dinv, b1, w2)


def _tc_f(agg2, y2, dinv, b2):
    return pl.pallas_call(
        _f_body,
        grid=(N // RB,),
        in_specs=[
            pl.BlockSpec((2, RB, OUT), lambda i: (0, i, 0)),
            pl.BlockSpec((RB, OUT), lambda i: (i, 0)),
            pl.BlockSpec((RB, 1), lambda i: (i, 0)),
            pl.BlockSpec((1, OUT), lambda i: (0, 0)),
        ],
        out_specs=pl.BlockSpec((RB, OUT), lambda i: (i, 0)),
        out_shape=jax.ShapeDtypeStruct((N, OUT), jnp.float32),
    )(agg2, y2, dinv, b2)


def kernel(x, edge_index, W1, b1, W2, b2):
    src = edge_index[0].astype(jnp.int32)
    dst = edge_index[1].astype(jnp.int32)
    pad = EP - E
    pad_src = jnp.arange(pad, dtype=jnp.int32) % N
    pad_dst = N + jnp.arange(pad, dtype=jnp.int32) % 8
    srcf = jnp.concatenate([src, pad_src])
    dstf = jnp.concatenate([dst, pad_dst])
    srcp = srcf.reshape(32, NCHP, CH)
    dstp = dstf.reshape(32, NCHP, CH)
    src1 = srcf.reshape(NTILES, 2 * TRA, CH)
    dst1 = dstf.reshape(NTILES, 2 * TRA, CH)

    zeros_h = jnp.zeros((N, HIDDEN // 2), jnp.float32)
    zeros_o = jnp.zeros((N, OUT), jnp.float32)
    zeros_d = jnp.zeros((N, DEGW), jnp.float32)
    ones_d = jnp.ones((CH, DEGW), jnp.float32)

    degp = _deg_kernel(dstp, ones_d, zeros_d)
    y1, dinv = _tc_b(x, W1, degp)
    agg1 = _agg1_kernel(y1, src1, dst1, zeros_h)
    y2 = _tc_d(agg1, y1, dinv, b1.reshape(1, HIDDEN), W2)
    agg2 = _agg2_kernel(y2, srcp, dstp, zeros_o)
    return _tc_f(agg2, y2, dinv, b2.reshape(1, OUT))

# --- scband reference (transcript-rebuilt; emitter-appended) ---
"""Pipeline reference for scband-gcndecoder-89300960019181 (READ-ONLY COPY).

The authoritative reference and input builder live on the scoring server;
editing this copy changes nothing except your own understanding.
"""

import jax, jax.numpy as jnp
import numpy as np

N_NODES = 10000
N_EDGES = 160000
LATENT = 256
HIDDEN = 256
OUT = 128


def gcn_conv(x, edge_index, W, b):
    # Faithful GCNConv: x' = D^{-1/2} (A + I) D^{-1/2} X W + b
    N = x.shape[0]
    src = edge_index[0]
    dst = edge_index[1]
    loop = jnp.arange(N, dtype=src.dtype)
    src = jnp.concatenate([src, loop])
    dst = jnp.concatenate([dst, loop])
    # linear transform first (as in PyG GCNConv)
    xw = x @ W
    # symmetric normalization
    deg = jnp.zeros((N,), dtype=x.dtype).at[dst].add(1.0)
    deg_inv_sqrt = jnp.where(deg > 0, 1.0 / jnp.sqrt(deg), 0.0)
    norm = deg_inv_sqrt[src] * deg_inv_sqrt[dst]
    # message + scatter-add aggregation
    msgs = xw[src] * norm[:, None]
    out = jnp.zeros((N, W.shape[1]), dtype=x.dtype).at[dst].add(msgs)
    return out + b


def setup_inputs(seed: int = 0) -> dict:
    key = jax.random.key(seed)
    k1, k2, k3, k4, k5, k6 = jax.random.split(key, 6)
    x = jax.random.normal(k1, (N_NODES, LATENT), dtype=jnp.float32)
    edge_index = jax.random.randint(k2, (2, N_EDGES), 0, N_NODES, dtype=jnp.int64)
    s1 = 1.0 / np.sqrt(LATENT)
    s2 = 1.0 / np.sqrt(HIDDEN)
    W1 = jax.random.uniform(k3, (LATENT, HIDDEN), dtype=jnp.float32, minval=-s1, maxval=s1)
    b1 = jax.random.uniform(k4, (HIDDEN,), dtype=jnp.float32, minval=-s1, maxval=s1)
    W2 = jax.random.uniform(k5, (HIDDEN, OUT), dtype=jnp.float32, minval=-s2, maxval=s2)
    b2 = jax.random.uniform(k6, (OUT,), dtype=jnp.float32, minval=-s2, maxval=s2)
    return {"x": x, "edge_index": edge_index, "W1": W1, "b1": b1, "W2": W2, "b2": b2}


def reference(x, edge_index, W1, b1, W2, b2):
    h = gcn_conv(x, edge_index, W1, b1)
    h = jax.nn.relu(h)
    return gcn_conv(h, edge_index, W2, b2)

if __name__ == "__main__":
    import jax
    _d = setup_inputs()
    print(jax.jit(kernel)(*tuple(_d.values())))

</pallas_src>

<mosaic_0001>
#map = affine_map<(d0, d1) -> (0, 0)>
#map1 = affine_map<(d0, d1) -> (0, 0, 0)>
module attributes {stable_mosaic.version = 14 : i64} {
  func.func @_agg2_kernel(%arg0: i32, %arg1: i32, %arg2: memref<10000x128xf32, #tpu.memory_space<hbm>>, %arg3: memref<32x40x128xi32, #tpu.memory_space<hbm>>, %arg4: memref<32x40x128xi32, #tpu.memory_space<hbm>>, %arg5: memref<10000x128xf32, #tpu.memory_space<hbm>>, %arg6: memref<2x10000x128xf32, #tpu.memory_space<hbm>>, %arg7: memref<40x128xi32, #tpu.memory_space<vmem>>, %arg8: memref<40x128xi32, #tpu.memory_space<vmem>>, %arg9: memref<128x128xf32, #tpu.memory_space<vmem>>, %arg10: memref<10008x128xf32, #tpu.memory_space<vmem_shared>>, %arg11: memref<!tpu.dma_semaphore, #tpu.memory_space<semaphore_mem>>) attributes {dimension_semantics = [#tpu.dimension_semantics<core_parallel>, #tpu.dimension_semantics<subcore_parallel>], iteration_bounds = array<i64: 2, 16>, scalar_prefetch = 0 : i64, scratch_operands = 5 : i64, tpu.core_type = #tpu.core_type<sc_vector_subcore>, window_params = [{transform_indices = #map}, {transform_indices = #map1}, {transform_indices = #map1}, {transform_indices = #map}, {transform_indices = #map1}]} {
    %mul3A = arith.constant 16 : i32
    %mul3A_0 = arith.muli %arg0, %mul3A : i32
    %add3A = arith.addi %mul3A_0, %arg1 : i32
    "tpu.region"() ({
      %run_scoped3A = tpu.sem_alloc : memref<!tpu.dma_semaphore, #tpu.memory_space<semaphore_mem>>
      %dma_start3A = arith.constant 0 : i32
      %dma_start3A_23 = arith.constant 0 : i32
      %dma_start3A_24 = tpu.memref_slice %arg3[%add3A, %dma_start3A, %dma_start3A_23] : memref<32x40x128xi32, #tpu.memory_space<hbm>> -> memref<1x40x128xi32, #tpu.memory_space<hbm>>
      %dma_start3A_25 = tpu.memref_squeeze %dma_start3A_24 : memref<1x40x128xi32, #tpu.memory_space<hbm>> -> memref<40x128xi32, #tpu.memory_space<hbm>>
      %dma_start3A_26 = arith.constant 0 : i32
      %dma_start3A_27 = arith.constant 0 : i32
      %dma_start3A_28 = tpu.memref_slice %arg3[%add3A, %dma_start3A_26, %dma_start3A_27] : memref<32x40x128xi32, #tpu.memory_space<hbm>> -> memref<1x40x128xi32, #tpu.memory_space<hbm>>
      %dma_start3A_29 = tpu.memref_squeeze %dma_start3A_28 : memref<1x40x128xi32, #tpu.memory_space<hbm>> -> memref<40x128xi32, #tpu.memory_space<hbm>>
      tpu.enqueue_dma source(%dma_start3A_29 : memref<40x128xi32, #tpu.memory_space<hbm>>) target(%arg7 : memref<40x128xi32, #tpu.memory_space<vmem>>) target_semaphore(%run_scoped3A : memref<!tpu.dma_semaphore, #tpu.memory_space<semaphore_mem>>)
      %dma_wait3A = arith.constant 0 : i32
      %dma_wait3A_30 = arith.constant 0 : i32
      %dma_wait3A_31 = tpu.memref_slice %arg3[%add3A, %dma_wait3A, %dma_wait3A_30] : memref<32x40x128xi32, #tpu.memory_space<hbm>> -> memref<1x40x128xi32, #tpu.memory_space<hbm>>
      %dma_wait3A_32 = tpu.memref_squeeze %dma_wait3A_31 : memref<1x40x128xi32, #tpu.memory_space<hbm>> -> memref<40x128xi32, #tpu.memory_space<hbm>>
      %dma_wait3A_33 = arith.constant 0 : i32
      %dma_wait3A_34 = arith.constant 0 : i32
      %dma_wait3A_35 = tpu.memref_slice %arg3[%add3A, %dma_wait3A_33, %dma_wait3A_34] : memref<32x40x128xi32, #tpu.memory_space<hbm>> -> memref<1x40x128xi32, #tpu.memory_space<hbm>>
      %dma_wait3A_36 = tpu.memref_squeeze %dma_wait3A_35 : memref<1x40x128xi32, #tpu.memory_space<hbm>> -> memref<40x128xi32, #tpu.memory_space<hbm>>
      tpu.wait_dma2 semaphore(%run_scoped3A : memref<!tpu.dma_semaphore, #tpu.memory_space<semaphore_mem>>) src(%dma_wait3A_36 : memref<40x128xi32, #tpu.memory_space<hbm>>) dst(%arg7 : memref<40x128xi32, #tpu.memory_space<vmem>>)
      tpu.yield
    }) : () -> ()
    "tpu.region"() ({
      %run_scoped3A = tpu.sem_alloc : memref<!tpu.dma_semaphore, #tpu.memory_space<semaphore_mem>>
      %dma_start3A = arith.constant 0 : i32
      %dma_start3A_23 = arith.constant 0 : i32
      %dma_start3A_24 = tpu.memref_slice %arg4[%add3A, %dma_start3A, %dma_start3A_23] : memref<32x40x128xi32, #tpu.memory_space<hbm>> -> memref<1x40x128xi32, #tpu.memory_space<hbm>>
      %dma_start3A_25 = tpu.memref_squeeze %dma_start3A_24 : memref<1x40x128xi32, #tpu.memory_space<hbm>> -> memref<40x128xi32, #tpu.memory_space<hbm>>
      %dma_start3A_26 = arith.constant 0 : i32
      %dma_start3A_27 = arith.constant 0 : i32
      %dma_start3A_28 = tpu.memref_slice %arg4[%add3A, %dma_start3A_26, %dma_start3A_27] : memref<32x40x128xi32, #tpu.memory_space<hbm>> -> memref<1x40x128xi32, #tpu.memory_space<hbm>>
      %dma_start3A_29 = tpu.memref_squeeze %dma_start3A_28 : memref<1x40x128xi32, #tpu.memory_space<hbm>> -> memref<40x128xi32, #tpu.memory_space<hbm>>
      tpu.enqueue_dma source(%dma_start3A_29 : memref<40x128xi32, #tpu.memory_space<hbm>>) target(%arg8 : memref<40x128xi32, #tpu.memory_space<vmem>>) target_semaphore(%run_scoped3A : memref<!tpu.dma_semaphore, #tpu.memory_space<semaphore_mem>>)
      %dma_wait3A = arith.constant 0 : i32
      %dma_wait3A_30 = arith.constant 0 : i32
      %dma_wait3A_31 = tpu.memref_slice %arg4[%add3A, %dma_wait3A, %dma_wait3A_30] : memref<32x40x128xi32, #tpu.memory_space<hbm>> -> memref<1x40x128xi32, #tpu.memory_space<hbm>>
      %dma_wait3A_32 = tpu.memref_squeeze %dma_wait3A_31 : memref<1x40x128xi32, #tpu.memory_space<hbm>> -> memref<40x128xi32, #tpu.memory_space<hbm>>
      %dma_wait3A_33 = arith.constant 0 : i32
      %dma_wait3A_34 = arith.constant 0 : i32
      %dma_wait3A_35 = tpu.memref_slice %arg4[%add3A, %dma_wait3A_33, %dma_wait3A_34] : memref<32x40x128xi32, #tpu.memory_space<hbm>> -> memref<1x40x128xi32, #tpu.memory_space<hbm>>
      %dma_wait3A_36 = tpu.memref_squeeze %dma_wait3A_35 : memref<1x40x128xi32, #tpu.memory_space<hbm>> -> memref<40x128xi32, #tpu.memory_space<hbm>>
      tpu.wait_dma2 semaphore(%run_scoped3A : memref<!tpu.dma_semaphore, #tpu.memory_space<semaphore_mem>>) src(%dma_wait3A_36 : memref<40x128xi32, #tpu.memory_space<hbm>>) dst(%arg8 : memref<40x128xi32, #tpu.memory_space<vmem>>)
      tpu.yield
    }) : () -> ()
    %lt3A = arith.constant 15 : i32
    %lt3A_1 = arith.cmpi slt, %arg1, %lt3A : i32
    %convert_element_type3A = arith.extui %lt3A_1 : i1 to i32
    %cond3A = arith.constant 0 : i32
    %cond3A_2 = arith.cmpi ne, %convert_element_type3A, %cond3A : i32
    scf.if %cond3A_2 {
      %mul3A_23 = arith.constant 640 : i32
      %mul3A_24 = arith.muli %arg1, %mul3A_23 : i32
      %multiple_of3A = tpu.assume_multiple %mul3A_24, 8 : i32
      "tpu.region"() ({
        %run_scoped3A = tpu.sem_alloc : memref<!tpu.dma_semaphore, #tpu.memory_space<semaphore_mem>>
        %dma_start3A = arith.constant 0 : i32
        %dma_start3A_25 = tpu.memref_slice %arg10[%multiple_of3A, %dma_start3A] : memref<10008x128xf32, #tpu.memory_space<vmem_shared>> -> memref<640x128xf32, #tpu.memory_space<vmem_shared>>
        %dma_start3A_26 = arith.constant 0 : i32
        %dma_start3A_27 = tpu.memref_slice %arg5[%multiple_of3A, %dma_start3A_26] : memref<10000x128xf32, #tpu.memory_space<hbm>> -> memref<640x128xf32, #tpu.memory_space<hbm>>
        tpu.enqueue_dma source(%dma_start3A_27 : memref<640x128xf32, #tpu.memory_space<hbm>>) target(%dma_start3A_25 : memref<640x128xf32, #tpu.memory_space<vmem_shared>>) target_semaphore(%run_scoped3A : memref<!tpu.dma_semaphore, #tpu.memory_space<semaphore_mem>>)
        %dma_wait3A = arith.constant 0 : i32
        %dma_wait3A_28 = tpu.memref_slice %arg10[%multiple_of3A, %dma_wait3A] : memref<10008x128xf32, #tpu.memory_space<vmem_shared>> -> memref<640x128xf32, #tpu.memory_space<vmem_shared>>
        %dma_wait3A_29 = arith.constant 0 : i32
        %dma_wait3A_30 = tpu.memref_slice %arg5[%multiple_of3A, %dma_wait3A_29] : memref<10000x128xf32, #tpu.memory_space<hbm>> -> memref<640x128xf32, #tpu.memory_space<hbm>>
        tpu.wait_dma2 semaphore(%run_scoped3A : memref<!tpu.dma_semaphore, #tpu.memory_space<semaphore_mem>>) src(%dma_wait3A_30 : memref<640x128xf32, #tpu.memory_space<hbm>>) dst(%dma_wait3A_28 : memref<640x128xf32, #tpu.memory_space<vmem_shared>>)
        tpu.yield
      }) : () -> ()
    } else {
    }
    %eq3A = arith.constant 15 : i32
    %eq3A_3 = arith.cmpi eq, %arg1, %eq3A : i32
    %convert_element_type3A_4 = arith.extui %eq3A_3 : i1 to i32
    %cond3A_5 = arith.constant 0 : i32
    %cond3A_6 = arith.cmpi ne, %convert_element_type3A_4, %cond3A_5 : i32
    scf.if %cond3A_6 {
      "tpu.region"() ({
        %run_scoped3A = tpu.sem_alloc : memref<!tpu.dma_semaphore, #tpu.memory_space<semaphore_mem>>
        %dma_start3A = arith.constant 9600 : i32
        %dma_start3A_23 = arith.constant 0 : i32
        %dma_start3A_24 = tpu.memref_slice %arg10[%dma_start3A, %dma_start3A_23] : memref<10008x128xf32, #tpu.memory_space<vmem_shared>> -> memref<400x128xf32, #tpu.memory_space<vmem_shared>>
        %dma_start3A_25 = arith.constant 9600 : i32
        %dma_start3A_26 = arith.constant 0 : i32
        %dma_start3A_27 = tpu.memref_slice %arg5[%dma_start3A_25, %dma_start3A_26] : memref<10000x128xf32, #tpu.memory_space<hbm>> -> memref<400x128xf32, #tpu.memory_space<hbm>>
        tpu.enqueue_dma source(%dma_start3A_27 : memref<400x128xf32, #tpu.memory_space<hbm>>) target(%dma_start3A_24 : memref<400x128xf32, #tpu.memory_space<vmem_shared>>) target_semaphore(%run_scoped3A : memref<!tpu.dma_semaphore, #tpu.memory_space<semaphore_mem>>)
        %dma_wait3A = arith.constant 9600 : i32
        %dma_wait3A_28 = arith.constant 0 : i32
        %dma_wait3A_29 = tpu.memref_slice %arg10[%dma_wait3A, %dma_wait3A_28] : memref<10008x128xf32, #tpu.memory_space<vmem_shared>> -> memref<400x128xf32, #tpu.memory_space<vmem_shared>>
        %dma_wait3A_30 = arith.constant 9600 : i32
        %dma_wait3A_31 = arith.constant 0 : i32
        %dma_wait3A_32 = tpu.memref_slice %arg5[%dma_wait3A_30, %dma_wait3A_31] : memref<10000x128xf32, #tpu.memory_space<hbm>> -> memref<400x128xf32, #tpu.memory_space<hbm>>
        tpu.wait_dma2 semaphore(%run_scoped3A : memref<!tpu.dma_semaphore, #tpu.memory_space<semaphore_mem>>) src(%dma_wait3A_32 : memref<400x128xf32, #tpu.memory_space<hbm>>) dst(%dma_wait3A_29 : memref<400x128xf32, #tpu.memory_space<vmem_shared>>)
        tpu.yield
      }) : () -> ()
    } else {
    }
    %barrier3A = arith.constant 0 : index
    tpu.barrier barrier_id(%barrier3A)
    %scan3A = arith.constant 0 : i32
    %scan3A_7 = arith.constant 0 : i32
    %scan3A_8 = arith.constant 40 : i32
    %scan3A_9 = arith.addi %scan3A_7, %scan3A_8 : i32
    %scan3A_10 = arith.constant 1 : i32
    scf.for %scan3A_23 = %scan3A_7 to %scan3A_9 step %scan3A_10  : i32 {
      %dma_start3A = arith.constant 0 : i32
      %dma_start3A_24 = tpu.memref_slice %arg7[%scan3A_23, %dma_start3A] : memref<40x128xi32, #tpu.memory_space<vmem>> -> memref<1x128xi32, #tpu.memory_space<vmem>>
      %dma_start3A_25 = tpu.memref_squeeze %dma_start3A_24 : memref<1x128xi32, #tpu.memory_space<vmem>> -> memref<128xi32, #tpu.memory_space<vmem>>
      %dma_start3A_26 = arith.constant 0 : i32
      %dma_start3A_27 = arith.constant 0 : i32
      %dma_start3A_28 = tpu.memref_slice %arg2[%dma_start3A_26, %dma_start3A_27] : memref<10000x128xf32, #tpu.memory_space<hbm>> -> memref<10000x128xf32, #tpu.memory_space<hbm>>
      tpu.enqueue_indirect_dma source(%dma_start3A_28 : memref<10000x128xf32, #tpu.memory_space<hbm>>) target(%arg9 : memref<128x128xf32, #tpu.memory_space<vmem>>) offsets(%dma_start3A_25 : memref<128xi32, #tpu.memory_space<vmem>>) semaphore(%arg11 : memref<!tpu.dma_semaphore, #tpu.memory_space<semaphore_mem>>)
      %dma_wait3A = arith.constant 0 : i32
      %dma_wait3A_29 = tpu.memref_slice %arg7[%scan3A_23, %dma_wait3A] : memref<40x128xi32, #tpu.memory_space<vmem>> -> memref<1x128xi32, #tpu.memory_space<vmem>>
      %dma_wait3A_30 = tpu.memref_squeeze %dma_wait3A_29 : memref<1x128xi32, #tpu.memory_space<vmem>> -> memref<128xi32, #tpu.memory_space<vmem>>
      %dma_wait3A_31 = arith.constant 0 : i32
      %dma_wait3A_32 = arith.constant 0 : i32
      %dma_wait3A_33 = tpu.memref_slice %arg2[%dma_wait3A_31, %dma_wait3A_32] : memref<10000x128xf32, #tpu.memory_space<hbm>> -> memref<10000x128xf32, #tpu.memory_space<hbm>>
      tpu.wait_indirect_dma semaphore(%arg11 : memref<!tpu.dma_semaphore, #tpu.memory_space<semaphore_mem>>) src(%dma_wait3A_33 : memref<10000x128xf32, #tpu.memory_space<hbm>>) dst(%arg9 : memref<128x128xf32, #tpu.memory_space<vmem>>)
      "tpu.region"() ({
        %run_scoped3A = tpu.sem_alloc : memref<!tpu.dma_semaphore, #tpu.memory_space<semaphore_mem>>
        %dma_start3A_34 = arith.constant 0 : i32
        %dma_start3A_35 = tpu.memref_slice %arg8[%scan3A_23, %dma_start3A_34] : memref<40x128xi32, #tpu.memory_space<vmem>> -> memref<1x128xi32, #tpu.memory_space<vmem>>
        %dma_start3A_36 = tpu.memref_squeeze %dma_start3A_35 : memref<1x128xi32, #tpu.memory_space<vmem>> -> memref<128xi32, #tpu.memory_space<vmem>>
        %dma_start3A_37 = arith.constant 0 : i32
        %dma_start3A_38 = arith.constant 0 : i32
        %dma_start3A_39 = tpu.memref_slice %arg10[%dma_start3A_37, %dma_start3A_38] : memref<10008x128xf32, #tpu.memory_space<vmem_shared>> -> memref<10008x128xf32, #tpu.memory_space<vmem_shared>>
        tpu.enqueue_indirect_dma source(%arg9 : memref<128x128xf32, #tpu.memory_space<vmem>>) target(%dma_start3A_39 : memref<10008x128xf32, #tpu.memory_space<vmem_shared>>) offsets(%dma_start3A_36 : memref<128xi32, #tpu.memory_space<vmem>>) semaphore(%run_scoped3A : memref<!tpu.dma_semaphore, #tpu.memory_space<semaphore_mem>>) {add = true}
        %dma_wait3A_40 = arith.constant 0 : i32
        %dma_wait3A_41 = tpu.memref_slice %arg8[%scan3A_23, %dma_wait3A_40] : memref<40x128xi32, #tpu.memory_space<vmem>> -> memref<1x128xi32, #tpu.memory_space<vmem>>
        %dma_wait3A_42 = tpu.memref_squeeze %dma_wait3A_41 : memref<1x128xi32, #tpu.memory_space<vmem>> -> memref<128xi32, #tpu.memory_space<vmem>>
        %dma_wait3A_43 = arith.constant 0 : i32
        %dma_wait3A_44 = arith.constant 0 : i32
        %dma_wait3A_45 = tpu.memref_slice %arg10[%dma_wait3A_43, %dma_wait3A_44] : memref<10008x128xf32, #tpu.memory_space<vmem_shared>> -> memref<10008x128xf32, #tpu.memory_space<vmem_shared>>
        tpu.wait_indirect_dma semaphore(%run_scoped3A : memref<!tpu.dma_semaphore, #tpu.memory_space<semaphore_mem>>) src(%arg9 : memref<128x128xf32, #tpu.memory_space<vmem>>) dst(%dma_wait3A_45 : memref<10008x128xf32, #tpu.memory_space<vmem_shared>>)
        tpu.yield
      }) : () -> ()
    }
    %scan3A_11 = arith.constant 40 : i32
    %barrier3A_12 = arith.constant 0 : index
    tpu.barrier barrier_id(%barrier3A_12)
    %lt3A_13 = arith.constant 15 : i32
    %lt3A_14 = arith.cmpi slt, %arg1, %lt3A_13 : i32
    %convert_element_type3A_15 = arith.extui %lt3A_14 : i1 to i32
    %cond3A_16 = arith.constant 0 : i32
    %cond3A_17 = arith.cmpi ne, %convert_element_type3A_15, %cond3A_16 : i32
    scf.if %cond3A_17 {
      %mul3A_23 = arith.constant 640 : i32
      %mul3A_24 = arith.muli %arg1, %mul3A_23 : i32
      %multiple_of3A = tpu.assume_multiple %mul3A_24, 8 : i32
      "tpu.region"() ({
        %run_scoped3A = tpu.sem_alloc : memref<!tpu.dma_semaphore, #tpu.memory_space<semaphore_mem>>
        %dma_start3A = arith.constant 0 : i32
        %dma_start3A_25 = arith.constant 0 : i32
        %dma_start3A_26 = tpu.memref_slice %arg6[%arg0, %dma_start3A, %dma_start3A_25] : memref<2x10000x128xf32, #tpu.memory_space<hbm>> -> memref<1x10000x128xf32, #tpu.memory_space<hbm>>
        %dma_start3A_27 = tpu.memref_squeeze %dma_start3A_26 : memref<1x10000x128xf32, #tpu.memory_space<hbm>> -> memref<10000x128xf32, #tpu.memory_space<hbm>>
        %dma_start3A_28 = arith.constant 0 : i32
        %dma_start3A_29 = tpu.memref_slice %dma_start3A_27[%multiple_of3A, %dma_start3A_28] : memref<10000x128xf32, #tpu.memory_space<hbm>> -> memref<640x128xf32, #tpu.memory_space<hbm>>
        %dma_start3A_30 = arith.constant 0 : i32
        %dma_start3A_31 = tpu.memref_slice %arg10[%multiple_of3A, %dma_start3A_30] : memref<10008x128xf32, #tpu.memory_space<vmem_shared>> -> memref<640x128xf32, #tpu.memory_space<vmem_shared>>
        tpu.enqueue_dma source(%dma_start3A_31 : memref<640x128xf32, #tpu.memory_space<vmem_shared>>) target(%dma_start3A_29 : memref<640x128xf32, #tpu.memory_space<hbm>>) target_semaphore(%run_scoped3A : memref<!tpu.dma_semaphore, #tpu.memory_space<semaphore_mem>>)
        %dma_wait3A = arith.constant 0 : i32
        %dma_wait3A_32 = arith.constant 0 : i32
        %dma_wait3A_33 = tpu.memref_slice %arg6[%arg0, %dma_wait3A, %dma_wait3A_32] : memref<2x10000x128xf32, #tpu.memory_space<hbm>> -> memref<1x10000x128xf32, #tpu.memory_space<hbm>>
        %dma_wait3A_34 = tpu.memref_squeeze %dma_wait3A_33 : memref<1x10000x128xf32, #tpu.memory_space<hbm>> -> memref<10000x128xf32, #tpu.memory_space<hbm>>
        %dma_wait3A_35 = arith.constant 0 : i32
        %dma_wait3A_36 = tpu.memref_slice %dma_wait3A_34[%multiple_of3A, %dma_wait3A_35] : memref<10000x128xf32, #tpu.memory_space<hbm>> -> memref<640x128xf32, #tpu.memory_space<hbm>>
        %dma_wait3A_37 = arith.constant 0 : i32
        %dma_wait3A_38 = tpu.memref_slice %arg10[%multiple_of3A, %dma_wait3A_37] : memref<10008x128xf32, #tpu.memory_space<vmem_shared>> -> memref<640x128xf32, #tpu.memory_space<vmem_shared>>
        tpu.wait_dma2 semaphore(%run_scoped3A : memref<!tpu.dma_semaphore, #tpu.memory_space<semaphore_mem>>) src(%dma_wait3A_38 : memref<640x128xf32, #tpu.memory_space<vmem_shared>>) dst(%dma_wait3A_36 : memref<640x128xf32, #tpu.memory_space<hbm>>)
        tpu.yield
      }) : () -> ()
    } else {
    }
    %eq3A_18 = arith.constant 15 : i32
    %eq3A_19 = arith.cmpi eq, %arg1, %eq3A_18 : i32
    %convert_element_type3A_20 = arith.extui %eq3A_19 : i1 to i32
    %cond3A_21 = arith.constant 0 : i32
    %cond3A_22 = arith.cmpi ne, %convert_element_type3A_20, %cond3A_21 : i32
    scf.if %cond3A_22 {
      "tpu.region"() ({
        %run_scoped3A = tpu.sem_alloc : memref<!tpu.dma_semaphore, #tpu.memory_space<semaphore_mem>>
        %dma_start3A = arith.constant 0 : i32
        %dma_start3A_23 = arith.constant 0 : i32
        %dma_start3A_24 = tpu.memref_slice %arg6[%arg0, %dma_start3A, %dma_start3A_23] : memref<2x10000x128xf32, #tpu.memory_space<hbm>> -> memref<1x10000x128xf32, #tpu.memory_space<hbm>>
        %dma_start3A_25 = tpu.memref_squeeze %dma_start3A_24 : memref<1x10000x128xf32, #tpu.memory_space<hbm>> -> memref<10000x128xf32, #tpu.memory_space<hbm>>
        %dma_start3A_26 = arith.constant 9600 : i32
        %dma_start3A_27 = arith.constant 0 : i32
        %dma_start3A_28 = tpu.memref_slice %dma_start3A_25[%dma_start3A_26, %dma_start3A_27] : memref<10000x128xf32, #tpu.memory_space<hbm>> -> memref<400x128xf32, #tpu.memory_space<hbm>>
        %dma_start3A_29 = arith.constant 9600 : i32
        %dma_start3A_30 = arith.constant 0 : i32
        %dma_start3A_31 = tpu.memref_slice %arg10[%dma_start3A_29, %dma_start3A_30] : memref<10008x128xf32, #tpu.memory_space<vmem_shared>> -> memref<400x128xf32, #tpu.memory_space<vmem_shared>>
        tpu.enqueue_dma source(%dma_start3A_31 : memref<400x128xf32, #tpu.memory_space<vmem_shared>>) target(%dma_start3A_28 : memref<400x128xf32, #tpu.memory_space<hbm>>) target_semaphore(%run_scoped3A : memref<!tpu.dma_semaphore, #tpu.memory_space<semaphore_mem>>)
        %dma_wait3A = arith.constant 0 : i32
        %dma_wait3A_32 = arith.constant 0 : i32
        %dma_wait3A_33 = tpu.memref_slice %arg6[%arg0, %dma_wait3A, %dma_wait3A_32] : memref<2x10000x128xf32, #tpu.memory_space<hbm>> -> memref<1x10000x128xf32, #tpu.memory_space<hbm>>
        %dma_wait3A_34 = tpu.memref_squeeze %dma_wait3A_33 : memref<1x10000x128xf32, #tpu.memory_space<hbm>> -> memref<10000x128xf32, #tpu.memory_space<hbm>>
        %dma_wait3A_35 = arith.constant 9600 : i32
        %dma_wait3A_36 = arith.constant 0 : i32
        %dma_wait3A_37 = tpu.memref_slice %dma_wait3A_34[%dma_wait3A_35, %dma_wait3A_36] : memref<10000x128xf32, #tpu.memory_space<hbm>> -> memref<400x128xf32, #tpu.memory_space<hbm>>
        %dma_wait3A_38 = arith.constant 9600 : i32
        %dma_wait3A_39 = arith.constant 0 : i32
        %dma_wait3A_40 = tpu.memref_slice %arg10[%dma_wait3A_38, %dma_wait3A_39] : memref<10008x128xf32, #tpu.memory_space<vmem_shared>> -> memref<400x128xf32, #tpu.memory_space<vmem_shared>>
        tpu.wait_dma2 semaphore(%run_scoped3A : memref<!tpu.dma_semaphore, #tpu.memory_space<semaphore_mem>>) src(%dma_wait3A_40 : memref<400x128xf32, #tpu.memory_space<vmem_shared>>) dst(%dma_wait3A_37 : memref<400x128xf32, #tpu.memory_space<hbm>>)
        tpu.yield
      }) : () -> ()
    } else {
    }
    return
  }
}

#map = affine_map<(d0, d1) -> (0, 0, 0)>
#map1 = affine_map<(d0, d1) -> (0, 0)>
module attributes {stable_mosaic.version = 14 : i64} {
  func.func @_deg_kernel(%arg0: i32, %arg1: i32, %arg2: memref<32x40x128xi32, #tpu.memory_space<hbm>>, %arg3: memref<128x128xf32, #tpu.memory_space<hbm>>, %arg4: memref<10000x128xf32, #tpu.memory_space<hbm>>, %arg5: memref<2x10000x128xf32, #tpu.memory_space<hbm>>, %arg6: memref<40x128xi32, #tpu.memory_space<vmem>>, %arg7: memref<128x128xf32, #tpu.memory_space<vmem>>, %arg8: memref<10008x128xf32, #tpu.memory_space<vmem_shared>>) attributes {dimension_semantics = [#tpu.dimension_semantics<core_parallel>, #tpu.dimension_semantics<subcore_parallel>], iteration_bounds = array<i64: 2, 16>, scalar_prefetch = 0 : i64, scratch_operands = 3 : i64, tpu.core_type = #tpu.core_type<sc_vector_subcore>, window_params = [{transform_indices = #map}, {transform_indices = #map1}, {transform_indices = #map1}, {transform_indices = #map}]} {
    %mul3A = arith.constant 16 : i32
    %mul3A_0 = arith.muli %arg0, %mul3A : i32
    %add3A = arith.addi %mul3A_0, %arg1 : i32
    "tpu.region"() ({
      %run_scoped3A = tpu.sem_alloc : memref<!tpu.dma_semaphore, #tpu.memory_space<semaphore_mem>>
      %dma_start3A = arith.constant 0 : i32
      %dma_start3A_23 = arith.constant 0 : i32
      %dma_start3A_24 = tpu.memref_slice %arg2[%add3A, %dma_start3A, %dma_start3A_23] : memref<32x40x128xi32, #tpu.memory_space<hbm>> -> memref<1x40x128xi32, #tpu.memory_space<hbm>>
      %dma_start3A_25 = tpu.memref_squeeze %dma_start3A_24 : memref<1x40x128xi32, #tpu.memory_space<hbm>> -> memref<40x128xi32, #tpu.memory_space<hbm>>
      %dma_start3A_26 = arith.constant 0 : i32
      %dma_start3A_27 = arith.constant 0 : i32
      %dma_start3A_28 = tpu.memref_slice %arg2[%add3A, %dma_start3A_26, %dma_start3A_27] : memref<32x40x128xi32, #tpu.memory_space<hbm>> -> memref<1x40x128xi32, #tpu.memory_space<hbm>>
      %dma_start3A_29 = tpu.memref_squeeze %dma_start3A_28 : memref<1x40x128xi32, #tpu.memory_space<hbm>> -> memref<40x128xi32, #tpu.memory_space<hbm>>
      tpu.enqueue_dma source(%dma_start3A_29 : memref<40x128xi32, #tpu.memory_space<hbm>>) target(%arg6 : memref<40x128xi32, #tpu.memory_space<vmem>>) target_semaphore(%run_scoped3A : memref<!tpu.dma_semaphore, #tpu.memory_space<semaphore_mem>>)
      %dma_wait3A = arith.constant 0 : i32
      %dma_wait3A_30 = arith.constant 0 : i32
      %dma_wait3A_31 = tpu.memref_slice %arg2[%add3A, %dma_wait3A, %dma_wait3A_30] : memref<32x40x128xi32, #tpu.memory_space<hbm>> -> memref<1x40x128xi32, #tpu.memory_space<hbm>>
      %dma_wait3A_32 = tpu.memref_squeeze %dma_wait3A_31 : memref<1x40x128xi32, #tpu.memory_space<hbm>> -> memref<40x128xi32, #tpu.memory_space<hbm>>
      %dma_wait3A_33 = arith.constant 0 : i32
      %dma_wait3A_34 = arith.constant 0 : i32
      %dma_wait3A_35 = tpu.memref_slice %arg2[%add3A, %dma_wait3A_33, %dma_wait3A_34] : memref<32x40x128xi32, #tpu.memory_space<hbm>> -> memref<1x40x128xi32, #tpu.memory_space<hbm>>
      %dma_wait3A_36 = tpu.memref_squeeze %dma_wait3A_35 : memref<1x40x128xi32, #tpu.memory_space<hbm>> -> memref<40x128xi32, #tpu.memory_space<hbm>>
      tpu.wait_dma2 semaphore(%run_scoped3A : memref<!tpu.dma_semaphore, #tpu.memory_space<semaphore_mem>>) src(%dma_wait3A_36 : memref<40x128xi32, #tpu.memory_space<hbm>>) dst(%arg6 : memref<40x128xi32, #tpu.memory_space<vmem>>)
      tpu.yield
    }) : () -> ()
    "tpu.region"() ({
      %run_scoped3A = tpu.sem_alloc : memref<!tpu.dma_semaphore, #tpu.memory_space<semaphore_mem>>
      tpu.enqueue_dma source(%arg3 : memref<128x128xf32, #tpu.memory_space<hbm>>) target(%arg7 : memref<128x128xf32, #tpu.memory_space<vmem>>) target_semaphore(%run_scoped3A : memref<!tpu.dma_semaphore, #tpu.memory_space<semaphore_mem>>)
      tpu.wait_dma2 semaphore(%run_scoped3A : memref<!tpu.dma_semaphore, #tpu.memory_space<semaphore_mem>>) src(%arg3 : memref<128x128xf32, #tpu.memory_space<hbm>>) dst(%arg7 : memref<128x128xf32, #tpu.memory_space<vmem>>)
      tpu.yield
    }) : () -> ()
    %lt3A = arith.constant 15 : i32
    %lt3A_1 = arith.cmpi slt, %arg1, %lt3A : i32
    %convert_element_type3A = arith.extui %lt3A_1 : i1 to i32
    %cond3A = arith.constant 0 : i32
    %cond3A_2 = arith.cmpi ne, %convert_element_type3A, %cond3A : i32
    scf.if %cond3A_2 {
      %mul3A_23 = arith.constant 640 : i32
      %mul3A_24 = arith.muli %arg1, %mul3A_23 : i32
      %multiple_of3A = tpu.assume_multiple %mul3A_24, 8 : i32
      "tpu.region"() ({
        %run_scoped3A = tpu.sem_alloc : memref<!tpu.dma_semaphore, #tpu.memory_space<semaphore_mem>>
        %dma_start3A = arith.constant 0 : i32
        %dma_start3A_25 = tpu.memref_slice %arg8[%multiple_of3A, %dma_start3A] : memref<10008x128xf32, #tpu.memory_space<vmem_shared>> -> memref<640x128xf32, #tpu.memory_space<vmem_shared>>
        %dma_start3A_26 = arith.constant 0 : i32
        %dma_start3A_27 = tpu.memref_slice %arg4[%multiple_of3A, %dma_start3A_26] : memref<10000x128xf32, #tpu.memory_space<hbm>> -> memref<640x128xf32, #tpu.memory_space<hbm>>
        tpu.enqueue_dma source(%dma_start3A_27 : memref<640x128xf32, #tpu.memory_space<hbm>>) target(%dma_start3A_25 : memref<640x128xf32, #tpu.memory_space<vmem_shared>>) target_semaphore(%run_scoped3A : memref<!tpu.dma_semaphore, #tpu.memory_space<semaphore_mem>>)
        %dma_wait3A = arith.constant 0 : i32
        %dma_wait3A_28 = tpu.memref_slice %arg8[%multiple_of3A, %dma_wait3A] : memref<10008x128xf32, #tpu.memory_space<vmem_shared>> -> memref<640x128xf32, #tpu.memory_space<vmem_shared>>
        %dma_wait3A_29 = arith.constant 0 : i32
        %dma_wait3A_30 = tpu.memref_slice %arg4[%multiple_of3A, %dma_wait3A_29] : memref<10000x128xf32, #tpu.memory_space<hbm>> -> memref<640x128xf32, #tpu.memory_space<hbm>>
        tpu.wait_dma2 semaphore(%run_scoped3A : memref<!tpu.dma_semaphore, #tpu.memory_space<semaphore_mem>>) src(%dma_wait3A_30 : memref<640x128xf32, #tpu.memory_space<hbm>>) dst(%dma_wait3A_28 : memref<640x128xf32, #tpu.memory_space<vmem_shared>>)
        tpu.yield
      }) : () -> ()
    } else {
    }
    %eq3A = arith.constant 15 : i32
    %eq3A_3 = arith.cmpi eq, %arg1, %eq3A : i32
    %convert_element_type3A_4 = arith.extui %eq3A_3 : i1 to i32
    %cond3A_5 = arith.constant 0 : i32
    %cond3A_6 = arith.cmpi ne, %convert_element_type3A_4, %cond3A_5 : i32
    scf.if %cond3A_6 {
      "tpu.region"() ({
        %run_scoped3A = tpu.sem_alloc : memref<!tpu.dma_semaphore, #tpu.memory_space<semaphore_mem>>
        %dma_start3A = arith.constant 9600 : i32
        %dma_start3A_23 = arith.constant 0 : i32
        %dma_start3A_24 = tpu.memref_slice %arg8[%dma_start3A, %dma_start3A_23] : memref<10008x128xf32, #tpu.memory_space<vmem_shared>> -> memref<400x128xf32, #tpu.memory_space<vmem_shared>>
        %dma_start3A_25 = arith.constant 9600 : i32
        %dma_start3A_26 = arith.constant 0 : i32
        %dma_start3A_27 = tpu.memref_slice %arg4[%dma_start3A_25, %dma_start3A_26] : memref<10000x128xf32, #tpu.memory_space<hbm>> -> memref<400x128xf32, #tpu.memory_space<hbm>>
        tpu.enqueue_dma source(%dma_start3A_27 : memref<400x128xf32, #tpu.memory_space<hbm>>) target(%dma_start3A_24 : memref<400x128xf32, #tpu.memory_space<vmem_shared>>) target_semaphore(%run_scoped3A : memref<!tpu.dma_semaphore, #tpu.memory_space<semaphore_mem>>)
        %dma_wait3A = arith.constant 9600 : i32
        %dma_wait3A_28 = arith.constant 0 : i32
        %dma_wait3A_29 = tpu.memref_slice %arg8[%dma_wait3A, %dma_wait3A_28] : memref<10008x128xf32, #tpu.memory_space<vmem_shared>> -> memref<400x128xf32, #tpu.memory_space<vmem_shared>>
        %dma_wait3A_30 = arith.constant 9600 : i32
        %dma_wait3A_31 = arith.constant 0 : i32
        %dma_wait3A_32 = tpu.memref_slice %arg4[%dma_wait3A_30, %dma_wait3A_31] : memref<10000x128xf32, #tpu.memory_space<hbm>> -> memref<400x128xf32, #tpu.memory_space<hbm>>
        tpu.wait_dma2 semaphore(%run_scoped3A : memref<!tpu.dma_semaphore, #tpu.memory_space<semaphore_mem>>) src(%dma_wait3A_32 : memref<400x128xf32, #tpu.memory_space<hbm>>) dst(%dma_wait3A_29 : memref<400x128xf32, #tpu.memory_space<vmem_shared>>)
        tpu.yield
      }) : () -> ()
    } else {
    }
    %barrier3A = arith.constant 0 : index
    tpu.barrier barrier_id(%barrier3A)
    %scan3A = arith.constant 0 : i32
    %scan3A_7 = arith.constant 0 : i32
    %scan3A_8 = arith.constant 40 : i32
    %scan3A_9 = arith.addi %scan3A_7, %scan3A_8 : i32
    %scan3A_10 = arith.constant 1 : i32
    scf.for %scan3A_23 = %scan3A_7 to %scan3A_9 step %scan3A_10  : i32 {
      "tpu.region"() ({
        %run_scoped3A = tpu.sem_alloc : memref<!tpu.dma_semaphore, #tpu.memory_space<semaphore_mem>>
        %dma_start3A = arith.constant 0 : i32
        %dma_start3A_24 = tpu.memref_slice %arg6[%scan3A_23, %dma_start3A] : memref<40x128xi32, #tpu.memory_space<vmem>> -> memref<1x128xi32, #tpu.memory_space<vmem>>
        %dma_start3A_25 = tpu.memref_squeeze %dma_start3A_24 : memref<1x128xi32, #tpu.memory_space<vmem>> -> memref<128xi32, #tpu.memory_space<vmem>>
        %dma_start3A_26 = arith.constant 0 : i32
        %dma_start3A_27 = arith.constant 0 : i32
        %dma_start3A_28 = tpu.memref_slice %arg8[%dma_start3A_26, %dma_start3A_27] : memref<10008x128xf32, #tpu.memory_space<vmem_shared>> -> memref<10008x128xf32, #tpu.memory_space<vmem_shared>>
        tpu.enqueue_indirect_dma source(%arg7 : memref<128x128xf32, #tpu.memory_space<vmem>>) target(%dma_start3A_28 : memref<10008x128xf32, #tpu.memory_space<vmem_shared>>) offsets(%dma_start3A_25 : memref<128xi32, #tpu.memory_space<vmem>>) semaphore(%run_scoped3A : memref<!tpu.dma_semaphore, #tpu.memory_space<semaphore_mem>>) {add = true}
        %dma_wait3A = arith.constant 0 : i32
        %dma_wait3A_29 = tpu.memref_slice %arg6[%scan3A_23, %dma_wait3A] : memref<40x128xi32, #tpu.memory_space<vmem>> -> memref<1x128xi32, #tpu.memory_space<vmem>>
        %dma_wait3A_30 = tpu.memref_squeeze %dma_wait3A_29 : memref<1x128xi32, #tpu.memory_space<vmem>> -> memref<128xi32, #tpu.memory_space<vmem>>
        %dma_wait3A_31 = arith.constant 0 : i32
        %dma_wait3A_32 = arith.constant 0 : i32
        %dma_wait3A_33 = tpu.memref_slice %arg8[%dma_wait3A_31, %dma_wait3A_32] : memref<10008x128xf32, #tpu.memory_space<vmem_shared>> -> memref<10008x128xf32, #tpu.memory_space<vmem_shared>>
        tpu.wait_indirect_dma semaphore(%run_scoped3A : memref<!tpu.dma_semaphore, #tpu.memory_space<semaphore_mem>>) src(%arg7 : memref<128x128xf32, #tpu.memory_space<vmem>>) dst(%dma_wait3A_33 : memref<10008x128xf32, #tpu.memory_space<vmem_shared>>)
        tpu.yield
      }) : () -> ()
    }
    %scan3A_11 = arith.constant 40 : i32
    %barrier3A_12 = arith.constant 0 : index
    tpu.barrier barrier_id(%barrier3A_12)
    %lt3A_13 = arith.constant 15 : i32
    %lt3A_14 = arith.cmpi slt, %arg1, %lt3A_13 : i32
    %convert_element_type3A_15 = arith.extui %lt3A_14 : i1 to i32
    %cond3A_16 = arith.constant 0 : i32
    %cond3A_17 = arith.cmpi ne, %convert_element_type3A_15, %cond3A_16 : i32
    scf.if %cond3A_17 {
      %mul3A_23 = arith.constant 640 : i32
      %mul3A_24 = arith.muli %arg1, %mul3A_23 : i32
      %multiple_of3A = tpu.assume_multiple %mul3A_24, 8 : i32
      "tpu.region"() ({
        %run_scoped3A = tpu.sem_alloc : memref<!tpu.dma_semaphore, #tpu.memory_space<semaphore_mem>>
        %dma_start3A = arith.constant 0 : i32
        %dma_start3A_25 = arith.constant 0 : i32
        %dma_start3A_26 = tpu.memref_slice %arg5[%arg0, %dma_start3A, %dma_start3A_25] : memref<2x10000x128xf32, #tpu.memory_space<hbm>> -> memref<1x10000x128xf32, #tpu.memory_space<hbm>>
        %dma_start3A_27 = tpu.memref_squeeze %dma_start3A_26 : memref<1x10000x128xf32, #tpu.memory_space<hbm>> -> memref<10000x128xf32, #tpu.memory_space<hbm>>
        %dma_start3A_28 = arith.constant 0 : i32
        %dma_start3A_29 = tpu.memref_slice %dma_start3A_27[%multiple_of3A, %dma_start3A_28] : memref<10000x128xf32, #tpu.memory_space<hbm>> -> memref<640x128xf32, #tpu.memory_space<hbm>>
        %dma_start3A_30 = arith.constant 0 : i32
        %dma_start3A_31 = tpu.memref_slice %arg8[%multiple_of3A, %dma_start3A_30] : memref<10008x128xf32, #tpu.memory_space<vmem_shared>> -> memref<640x128xf32, #tpu.memory_space<vmem_shared>>
        tpu.enqueue_dma source(%dma_start3A_31 : memref<640x128xf32, #tpu.memory_space<vmem_shared>>) target(%dma_start3A_29 : memref<640x128xf32, #tpu.memory_space<hbm>>) target_semaphore(%run_scoped3A : memref<!tpu.dma_semaphore, #tpu.memory_space<semaphore_mem>>)
        %dma_wait3A = arith.constant 0 : i32
        %dma_wait3A_32 = arith.constant 0 : i32
        %dma_wait3A_33 = tpu.memref_slice %arg5[%arg0, %dma_wait3A, %dma_wait3A_32] : memref<2x10000x128xf32, #tpu.memory_space<hbm>> -> memref<1x10000x128xf32, #tpu.memory_space<hbm>>
        %dma_wait3A_34 = tpu.memref_squeeze %dma_wait3A_33 : memref<1x10000x128xf32, #tpu.memory_space<hbm>> -> memref<10000x128xf32, #tpu.memory_space<hbm>>
        %dma_wait3A_35 = arith.constant 0 : i32
        %dma_wait3A_36 = tpu.memref_slice %dma_wait3A_34[%multiple_of3A, %dma_wait3A_35] : memref<10000x128xf32, #tpu.memory_space<hbm>> -> memref<640x128xf32, #tpu.memory_space<hbm>>
        %dma_wait3A_37 = arith.constant 0 : i32
        %dma_wait3A_38 = tpu.memref_slice %arg8[%multiple_of3A, %dma_wait3A_37] : memref<10008x128xf32, #tpu.memory_space<vmem_shared>> -> memref<640x128xf32, #tpu.memory_space<vmem_shared>>
        tpu.wait_dma2 semaphore(%run_scoped3A : memref<!tpu.dma_semaphore, #tpu.memory_space<semaphore_mem>>) src(%dma_wait3A_38 : memref<640x128xf32, #tpu.memory_space<vmem_shared>>) dst(%dma_wait3A_36 : memref<640x128xf32, #tpu.memory_space<hbm>>)
        tpu.yield
      }) : () -> ()
    } else {
    }
    %eq3A_18 = arith.constant 15 : i32
    %eq3A_19 = arith.cmpi eq, %arg1, %eq3A_18 : i32
    %convert_element_type3A_20 = arith.extui %eq3A_19 : i1 to i32
    %cond3A_21 = arith.constant 0 : i32
    %cond3A_22 = arith.cmpi ne, %convert_element_type3A_20, %cond3A_21 : i32
    scf.if %cond3A_22 {
      "tpu.region"() ({
        %run_scoped3A = tpu.sem_alloc : memref<!tpu.dma_semaphore, #tpu.memory_space<semaphore_mem>>
        %dma_start3A = arith.constant 0 : i32
        %dma_start3A_23 = arith.constant 0 : i32
        %dma_start3A_24 = tpu.memref_slice %arg5[%arg0, %dma_start3A, %dma_start3A_23] : memref<2x10000x128xf32, #tpu.memory_space<hbm>> -> memref<1x10000x128xf32, #tpu.memory_space<hbm>>
        %dma_start3A_25 = tpu.memref_squeeze %dma_start3A_24 : memref<1x10000x128xf32, #tpu.memory_space<hbm>> -> memref<10000x128xf32, #tpu.memory_space<hbm>>
        %dma_start3A_26 = arith.constant 9600 : i32
        %dma_start3A_27 = arith.constant 0 : i32
        %dma_start3A_28 = tpu.memref_slice %dma_start3A_25[%dma_start3A_26, %dma_start3A_27] : memref<10000x128xf32, #tpu.memory_space<hbm>> -> memref<400x128xf32, #tpu.memory_space<hbm>>
        %dma_start3A_29 = arith.constant 9600 : i32
        %dma_start3A_30 = arith.constant 0 : i32
        %dma_start3A_31 = tpu.memref_slice %arg8[%dma_start3A_29, %dma_start3A_30] : memref<10008x128xf32, #tpu.memory_space<vmem_shared>> -> memref<400x128xf32, #tpu.memory_space<vmem_shared>>
        tpu.enqueue_dma source(%dma_start3A_31 : memref<400x128xf32, #tpu.memory_space<vmem_shared>>) target(%dma_start3A_28 : memref<400x128xf32, #tpu.memory_space<hbm>>) target_semaphore(%run_scoped3A : memref<!tpu.dma_semaphore, #tpu.memory_space<semaphore_mem>>)
        %dma_wait3A = arith.constant 0 : i32
        %dma_wait3A_32 = arith.constant 0 : i32
        %dma_wait3A_33 = tpu.memref_slice %arg5[%arg0, %dma_wait3A, %dma_wait3A_32] : memref<2x10000x128xf32, #tpu.memory_space<hbm>> -> memref<1x10000x128xf32, #tpu.memory_space<hbm>>
        %dma_wait3A_34 = tpu.memref_squeeze %dma_wait3A_33 : memref<1x10000x128xf32, #tpu.memory_space<hbm>> -> memref<10000x128xf32, #tpu.memory_space<hbm>>
        %dma_wait3A_35 = arith.constant 9600 : i32
        %dma_wait3A_36 = arith.constant 0 : i32
        %dma_wait3A_37 = tpu.memref_slice %dma_wait3A_34[%dma_wait3A_35, %dma_wait3A_36] : memref<10000x128xf32, #tpu.memory_space<hbm>> -> memref<400x128xf32, #tpu.memory_space<hbm>>
        %dma_wait3A_38 = arith.constant 9600 : i32
        %dma_wait3A_39 = arith.constant 0 : i32
        %dma_wait3A_40 = tpu.memref_slice %arg8[%dma_wait3A_38, %dma_wait3A_39] : memref<10008x128xf32, #tpu.memory_space<vmem_shared>> -> memref<400x128xf32, #tpu.memory_space<vmem_shared>>
        tpu.wait_dma2 semaphore(%run_scoped3A : memref<!tpu.dma_semaphore, #tpu.memory_space<semaphore_mem>>) src(%dma_wait3A_40 : memref<400x128xf32, #tpu.memory_space<vmem_shared>>) dst(%dma_wait3A_37 : memref<400x128xf32, #tpu.memory_space<hbm>>)
        tpu.yield
      }) : () -> ()
    } else {
    }
    return
  }
}

#map = affine_map<(d0, d1) -> (0, 0, 0)>
#map1 = affine_map<(d0, d1) -> (0, 0)>
module attributes {stable_mosaic.version = 14 : i64} {
  func.func @_agg1_kernel(%arg0: i32, %arg1: i32, %arg2: memref<2x10000x128xf32, #tpu.memory_space<hbm>>, %arg3: memref<16x80x128xi32, #tpu.memory_space<hbm>>, %arg4: memref<16x80x128xi32, #tpu.memory_space<hbm>>, %arg5: memref<10000x128xf32, #tpu.memory_space<hbm>>, %arg6: memref<2x10000x128xf32, #tpu.memory_space<hbm>>, %arg7: memref<40x128xi32, #tpu.memory_space<vmem>>, %arg8: memref<40x128xi32, #tpu.memory_space<vmem>>, %arg9: memref<128x128xf32, #tpu.memory_space<vmem>>, %arg10: memref<10008x128xf32, #tpu.memory_space<vmem_shared>>, %arg11: memref<!tpu.dma_semaphore, #tpu.memory_space<semaphore_mem>>) attributes {dimension_semantics = [#tpu.dimension_semantics<core_parallel>, #tpu.dimension_semantics<subcore_parallel>], iteration_bounds = array<i64: 2, 16>, scalar_prefetch = 0 : i64, scratch_operands = 5 : i64, tpu.core_type = #tpu.core_type<sc_vector_subcore>, window_params = [{transform_indices = #map}, {transform_indices = #map}, {transform_indices = #map}, {transform_indices = #map1}, {transform_indices = #map}]} {
    "tpu.region"() ({
      %run_scoped3A = tpu.sem_alloc : memref<!tpu.dma_semaphore, #tpu.memory_space<semaphore_mem>>
      %dma_start3A = arith.constant 0 : i32
      %dma_start3A_28 = arith.constant 0 : i32
      %dma_start3A_29 = tpu.memref_slice %arg3[%arg1, %dma_start3A, %dma_start3A_28] : memref<16x80x128xi32, #tpu.memory_space<hbm>> -> memref<1x80x128xi32, #tpu.memory_space<hbm>>
      %dma_start3A_30 = tpu.memref_squeeze %dma_start3A_29 : memref<1x80x128xi32, #tpu.memory_space<hbm>> -> memref<80x128xi32, #tpu.memory_space<hbm>>
      %dma_start3A_31 = arith.constant 0 : i32
      %dma_start3A_32 = arith.constant 0 : i32
      %dma_start3A_33 = tpu.memref_slice %dma_start3A_30[%dma_start3A_31, %dma_start3A_32] : memref<80x128xi32, #tpu.memory_space<hbm>> -> memref<40x128xi32, #tpu.memory_space<hbm>>
      %dma_start3A_34 = arith.constant 0 : i32
      %dma_start3A_35 = arith.constant 0 : i32
      %dma_start3A_36 = tpu.memref_slice %arg3[%arg1, %dma_start3A_34, %dma_start3A_35] : memref<16x80x128xi32, #tpu.memory_space<hbm>> -> memref<1x80x128xi32, #tpu.memory_space<hbm>>
      %dma_start3A_37 = tpu.memref_squeeze %dma_start3A_36 : memref<1x80x128xi32, #tpu.memory_space<hbm>> -> memref<80x128xi32, #tpu.memory_space<hbm>>
      %dma_start3A_38 = arith.constant 0 : i32
      %dma_start3A_39 = arith.constant 0 : i32
      %dma_start3A_40 = tpu.memref_slice %dma_start3A_37[%dma_start3A_38, %dma_start3A_39] : memref<80x128xi32, #tpu.memory_space<hbm>> -> memref<40x128xi32, #tpu.memory_space<hbm>>
      tpu.enqueue_dma source(%dma_start3A_40 : memref<40x128xi32, #tpu.memory_space<hbm>>) target(%arg7 : memref<40x128xi32, #tpu.memory_space<vmem>>) target_semaphore(%run_scoped3A : memref<!tpu.dma_semaphore, #tpu.memory_space<semaphore_mem>>)
      %dma_wait3A = arith.constant 0 : i32
      %dma_wait3A_41 = arith.constant 0 : i32
      %dma_wait3A_42 = tpu.memref_slice %arg3[%arg1, %dma_wait3A, %dma_wait3A_41] : memref<16x80x128xi32, #tpu.memory_space<hbm>> -> memref<1x80x128xi32, #tpu.memory_space<hbm>>
      %dma_wait3A_43 = tpu.memref_squeeze %dma_wait3A_42 : memref<1x80x128xi32, #tpu.memory_space<hbm>> -> memref<80x128xi32, #tpu.memory_space<hbm>>
      %dma_wait3A_44 = arith.constant 0 : i32
      %dma_wait3A_45 = arith.constant 0 : i32
      %dma_wait3A_46 = tpu.memref_slice %dma_wait3A_43[%dma_wait3A_44, %dma_wait3A_45] : memref<80x128xi32, #tpu.memory_space<hbm>> -> memref<40x128xi32, #tpu.memory_space<hbm>>
      %dma_wait3A_47 = arith.constant 0 : i32
      %dma_wait3A_48 = arith.constant 0 : i32
      %dma_wait3A_49 = tpu.memref_slice %arg3[%arg1, %dma_wait3A_47, %dma_wait3A_48] : memref<16x80x128xi32, #tpu.memory_space<hbm>> -> memref<1x80x128xi32, #tpu.memory_space<hbm>>
      %dma_wait3A_50 = tpu.memref_squeeze %dma_wait3A_49 : memref<1x80x128xi32, #tpu.memory_space<hbm>> -> memref<80x128xi32, #tpu.memory_space<hbm>>
      %dma_wait3A_51 = arith.constant 0 : i32
      %dma_wait3A_52 = arith.constant 0 : i32
      %dma_wait3A_53 = tpu.memref_slice %dma_wait3A_50[%dma_wait3A_51, %dma_wait3A_52] : memref<80x128xi32, #tpu.memory_space<hbm>> -> memref<40x128xi32, #tpu.memory_space<hbm>>
      tpu.wait_dma2 semaphore(%run_scoped3A : memref<!tpu.dma_semaphore, #tpu.memory_space<semaphore_mem>>) src(%dma_wait3A_53 : memref<40x128xi32, #tpu.memory_space<hbm>>) dst(%arg7 : memref<40x128xi32, #tpu.memory_space<vmem>>)
      tpu.yield
    }) : () -> ()
    "tpu.region"() ({
      %run_scoped3A = tpu.sem_alloc : memref<!tpu.dma_semaphore, #tpu.memory_space<semaphore_mem>>
      %dma_start3A = arith.constant 0 : i32
      %dma_start3A_28 = arith.constant 0 : i32
      %dma_start3A_29 = tpu.memref_slice %arg4[%arg1, %dma_start3A, %dma_start3A_28] : memref<16x80x128xi32, #tpu.memory_space<hbm>> -> memref<1x80x128xi32, #tpu.memory_space<hbm>>
      %dma_start3A_30 = tpu.memref_squeeze %dma_start3A_29 : memref<1x80x128xi32, #tpu.memory_space<hbm>> -> memref<80x128xi32, #tpu.memory_space<hbm>>
      %dma_start3A_31 = arith.constant 0 : i32
      %dma_start3A_32 = arith.constant 0 : i32
      %dma_start3A_33 = tpu.memref_slice %dma_start3A_30[%dma_start3A_31, %dma_start3A_32] : memref<80x128xi32, #tpu.memory_space<hbm>> -> memref<40x128xi32, #tpu.memory_space<hbm>>
      %dma_start3A_34 = arith.constant 0 : i32
      %dma_start3A_35 = arith.constant 0 : i32
      %dma_start3A_36 = tpu.memref_slice %arg4[%arg1, %dma_start3A_34, %dma_start3A_35] : memref<16x80x128xi32, #tpu.memory_space<hbm>> -> memref<1x80x128xi32, #tpu.memory_space<hbm>>
      %dma_start3A_37 = tpu.memref_squeeze %dma_start3A_36 : memref<1x80x128xi32, #tpu.memory_space<hbm>> -> memref<80x128xi32, #tpu.memory_space<hbm>>
      %dma_start3A_38 = arith.constant 0 : i32
      %dma_start3A_39 = arith.constant 0 : i32
      %dma_start3A_40 = tpu.memref_slice %dma_start3A_37[%dma_start3A_38, %dma_start3A_39] : memref<80x128xi32, #tpu.memory_space<hbm>> -> memref<40x128xi32, #tpu.memory_space<hbm>>
      tpu.enqueue_dma source(%dma_start3A_40 : memref<40x128xi32, #tpu.memory_space<hbm>>) target(%arg8 : memref<40x128xi32, #tpu.memory_space<vmem>>) target_semaphore(%run_scoped3A : memref<!tpu.dma_semaphore, #tpu.memory_space<semaphore_mem>>)
      %dma_wait3A = arith.constant 0 : i32
      %dma_wait3A_41 = arith.constant 0 : i32
      %dma_wait3A_42 = tpu.memref_slice %arg4[%arg1, %dma_wait3A, %dma_wait3A_41] : memref<16x80x128xi32, #tpu.memory_space<hbm>> -> memref<1x80x128xi32, #tpu.memory_space<hbm>>
      %dma_wait3A_43 = tpu.memref_squeeze %dma_wait3A_42 : memref<1x80x128xi32, #tpu.memory_space<hbm>> -> memref<80x128xi32, #tpu.memory_space<hbm>>
      %dma_wait3A_44 = arith.constant 0 : i32
      %dma_wait3A_45 = arith.constant 0 : i32
      %dma_wait3A_46 = tpu.memref_slice %dma_wait3A_43[%dma_wait3A_44, %dma_wait3A_45] : memref<80x128xi32, #tpu.memory_space<hbm>> -> memref<40x128xi32, #tpu.memory_space<hbm>>
      %dma_wait3A_47 = arith.constant 0 : i32
      %dma_wait3A_48 = arith.constant 0 : i32
      %dma_wait3A_49 = tpu.memref_slice %arg4[%arg1, %dma_wait3A_47, %dma_wait3A_48] : memref<16x80x128xi32, #tpu.memory_space<hbm>> -> memref<1x80x128xi32, #tpu.memory_space<hbm>>
      %dma_wait3A_50 = tpu.memref_squeeze %dma_wait3A_49 : memref<1x80x128xi32, #tpu.memory_space<hbm>> -> memref<80x128xi32, #tpu.memory_space<hbm>>
      %dma_wait3A_51 = arith.constant 0 : i32
      %dma_wait3A_52 = arith.constant 0 : i32
      %dma_wait3A_53 = tpu.memref_slice %dma_wait3A_50[%dma_wait3A_51, %dma_wait3A_52] : memref<80x128xi32, #tpu.memory_space<hbm>> -> memref<40x128xi32, #tpu.memory_space<hbm>>
      tpu.wait_dma2 semaphore(%run_scoped3A : memref<!tpu.dma_semaphore, #tpu.memory_space<semaphore_mem>>) src(%dma_wait3A_53 : memref<40x128xi32, #tpu.memory_space<hbm>>) dst(%arg8 : memref<40x128xi32, #tpu.memory_space<vmem>>)
      tpu.yield
    }) : () -> ()
    %lt3A = arith.constant 15 : i32
    %lt3A_0 = arith.cmpi slt, %arg1, %lt3A : i32
    %convert_element_type3A = arith.extui %lt3A_0 : i1 to i32
    %cond3A = arith.constant 0 : i32
    %cond3A_1 = arith.cmpi ne, %convert_element_type3A, %cond3A : i32
    scf.if %cond3A_1 {
      %mul3A = arith.constant 640 : i32
      %mul3A_28 = arith.muli %arg1, %mul3A : i32
      %multiple_of3A = tpu.assume_multiple %mul3A_28, 8 : i32
      "tpu.region"() ({
        %run_scoped3A = tpu.sem_alloc : memref<!tpu.dma_semaphore, #tpu.memory_space<semaphore_mem>>
        %dma_start3A = arith.constant 0 : i32
        %dma_start3A_29 = tpu.memref_slice %arg10[%multiple_of3A, %dma_start3A] : memref<10008x128xf32, #tpu.memory_space<vmem_shared>> -> memref<640x128xf32, #tpu.memory_space<vmem_shared>>
        %dma_start3A_30 = arith.constant 0 : i32
        %dma_start3A_31 = tpu.memref_slice %arg5[%multiple_of3A, %dma_start3A_30] : memref<10000x128xf32, #tpu.memory_space<hbm>> -> memref<640x128xf32, #tpu.memory_space<hbm>>
        tpu.enqueue_dma source(%dma_start3A_31 : memref<640x128xf32, #tpu.memory_space<hbm>>) target(%dma_start3A_29 : memref<640x128xf32, #tpu.memory_space<vmem_shared>>) target_semaphore(%run_scoped3A : memref<!tpu.dma_semaphore, #tpu.memory_space<semaphore_mem>>)
        %dma_wait3A = arith.constant 0 : i32
        %dma_wait3A_32 = tpu.memref_slice %arg10[%multiple_of3A, %dma_wait3A] : memref<10008x128xf32, #tpu.memory_space<vmem_shared>> -> memref<640x128xf32, #tpu.memory_space<vmem_shared>>
        %dma_wait3A_33 = arith.constant 0 : i32
        %dma_wait3A_34 = tpu.memref_slice %arg5[%multiple_of3A, %dma_wait3A_33] : memref<10000x128xf32, #tpu.memory_space<hbm>> -> memref<640x128xf32, #tpu.memory_space<hbm>>
        tpu.wait_dma2 semaphore(%run_scoped3A : memref<!tpu.dma_semaphore, #tpu.memory_space<semaphore_mem>>) src(%dma_wait3A_34 : memref<640x128xf32, #tpu.memory_space<hbm>>) dst(%dma_wait3A_32 : memref<640x128xf32, #tpu.memory_space<vmem_shared>>)
        tpu.yield
      }) : () -> ()
    } else {
    }
    %eq3A = arith.constant 15 : i32
    %eq3A_2 = arith.cmpi eq, %arg1, %eq3A : i32
    %convert_element_type3A_3 = arith.extui %eq3A_2 : i1 to i32
    %cond3A_4 = arith.constant 0 : i32
    %cond3A_5 = arith.cmpi ne, %convert_element_type3A_3, %cond3A_4 : i32
    scf.if %cond3A_5 {
      "tpu.region"() ({
        %run_scoped3A = tpu.sem_alloc : memref<!tpu.dma_semaphore, #tpu.memory_space<semaphore_mem>>
        %dma_start3A = arith.constant 9600 : i32
        %dma_start3A_28 = arith.constant 0 : i32
        %dma_start3A_29 = tpu.memref_slice %arg10[%dma_start3A, %dma_start3A_28] : memref<10008x128xf32, #tpu.memory_space<vmem_shared>> -> memref<400x128xf32, #tpu.memory_space<vmem_shared>>
        %dma_start3A_30 = arith.constant 9600 : i32
        %dma_start3A_31 = arith.constant 0 : i32
        %dma_start3A_32 = tpu.memref_slice %arg5[%dma_start3A_30, %dma_start3A_31] : memref<10000x128xf32, #tpu.memory_space<hbm>> -> memref<400x128xf32, #tpu.memory_space<hbm>>
        tpu.enqueue_dma source(%dma_start3A_32 : memref<400x128xf32, #tpu.memory_space<hbm>>) target(%dma_start3A_29 : memref<400x128xf32, #tpu.memory_space<vmem_shared>>) target_semaphore(%run_scoped3A : memref<!tpu.dma_semaphore, #tpu.memory_space<semaphore_mem>>)
        %dma_wait3A = arith.constant 9600 : i32
        %dma_wait3A_33 = arith.constant 0 : i32
        %dma_wait3A_34 = tpu.memref_slice %arg10[%dma_wait3A, %dma_wait3A_33] : memref<10008x128xf32, #tpu.memory_space<vmem_shared>> -> memref<400x128xf32, #tpu.memory_space<vmem_shared>>
        %dma_wait3A_35 = arith.constant 9600 : i32
        %dma_wait3A_36 = arith.constant 0 : i32
        %dma_wait3A_37 = tpu.memref_slice %arg5[%dma_wait3A_35, %dma_wait3A_36] : memref<10000x128xf32, #tpu.memory_space<hbm>> -> memref<400x128xf32, #tpu.memory_space<hbm>>
        tpu.wait_dma2 semaphore(%run_scoped3A : memref<!tpu.dma_semaphore, #tpu.memory_space<semaphore_mem>>) src(%dma_wait3A_37 : memref<400x128xf32, #tpu.memory_space<hbm>>) dst(%dma_wait3A_34 : memref<400x128xf32, #tpu.memory_space<vmem_shared>>)
        tpu.yield
      }) : () -> ()
    } else {
    }
    %barrier3A = arith.constant 0 : index
    tpu.barrier barrier_id(%barrier3A)
    %scan3A = arith.constant 0 : i32
    %scan3A_6 = arith.constant 0 : i32
    %scan3A_7 = arith.constant 40 : i32
    %scan3A_8 = arith.addi %scan3A_6, %scan3A_7 : i32
    %scan3A_9 = arith.constant 1 : i32
    scf.for %scan3A_28 = %scan3A_6 to %scan3A_8 step %scan3A_9  : i32 {
      %dma_start3A = arith.constant 0 : i32
      %dma_start3A_29 = tpu.memref_slice %arg7[%scan3A_28, %dma_start3A] : memref<40x128xi32, #tpu.memory_space<vmem>> -> memref<1x128xi32, #tpu.memory_space<vmem>>
      %dma_start3A_30 = tpu.memref_squeeze %dma_start3A_29 : memref<1x128xi32, #tpu.memory_space<vmem>> -> memref<128xi32, #tpu.memory_space<vmem>>
      %dma_start3A_31 = arith.constant 0 : i32
      %dma_start3A_32 = arith.constant 0 : i32
      %dma_start3A_33 = tpu.memref_slice %arg2[%arg0, %dma_start3A_31, %dma_start3A_32] : memref<2x10000x128xf32, #tpu.memory_space<hbm>> -> memref<1x10000x128xf32, #tpu.memory_space<hbm>>
      %dma_start3A_34 = tpu.memref_squeeze %dma_start3A_33 : memref<1x10000x128xf32, #tpu.memory_space<hbm>> -> memref<10000x128xf32, #tpu.memory_space<hbm>>
      %dma_start3A_35 = arith.constant 0 : i32
      %dma_start3A_36 = arith.constant 0 : i32
      %dma_start3A_37 = tpu.memref_slice %dma_start3A_34[%dma_start3A_35, %dma_start3A_36] : memref<10000x128xf32, #tpu.memory_space<hbm>> -> memref<10000x128xf32, #tpu.memory_space<hbm>>
      tpu.enqueue_indirect_dma source(%dma_start3A_37 : memref<10000x128xf32, #tpu.memory_space<hbm>>) target(%arg9 : memref<128x128xf32, #tpu.memory_space<vmem>>) offsets(%dma_start3A_30 : memref<128xi32, #tpu.memory_space<vmem>>) semaphore(%arg11 : memref<!tpu.dma_semaphore, #tpu.memory_space<semaphore_mem>>)
      %dma_wait3A = arith.constant 0 : i32
      %dma_wait3A_38 = tpu.memref_slice %arg7[%scan3A_28, %dma_wait3A] : memref<40x128xi32, #tpu.memory_space<vmem>> -> memref<1x128xi32, #tpu.memory_space<vmem>>
      %dma_wait3A_39 = tpu.memref_squeeze %dma_wait3A_38 : memref<1x128xi32, #tpu.memory_space<vmem>> -> memref<128xi32, #tpu.memory_space<vmem>>
      %dma_wait3A_40 = arith.constant 0 : i32
      %dma_wait3A_41 = arith.constant 0 : i32
      %dma_wait3A_42 = tpu.memref_slice %arg2[%arg0, %dma_wait3A_40, %dma_wait3A_41] : memref<2x10000x128xf32, #tpu.memory_space<hbm>> -> memref<1x10000x128xf32, #tpu.memory_space<hbm>>
      %dma_wait3A_43 = tpu.memref_squeeze %dma_wait3A_42 : memref<1x10000x128xf32, #tpu.memory_space<hbm>> -> memref<10000x128xf32, #tpu.memory_space<hbm>>
      %dma_wait3A_44 = arith.constant 0 : i32
      %dma_wait3A_45 = arith.constant 0 : i32
      %dma_wait3A_46 = tpu.memref_slice %dma_wait3A_43[%dma_wait3A_44, %dma_wait3A_45] : memref<10000x128xf32, #tpu.memory_space<hbm>> -> memref<10000x128xf32, #tpu.memory_space<hbm>>
      tpu.wait_indirect_dma semaphore(%arg11 : memref<!tpu.dma_semaphore, #tpu.memory_space<semaphore_mem>>) src(%dma_wait3A_46 : memref<10000x128xf32, #tpu.memory_space<hbm>>) dst(%arg9 : memref<128x128xf32, #tpu.memory_space<vmem>>)
      "tpu.region"() ({
        %run_scoped3A = tpu.sem_alloc : memref<!tpu.dma_semaphore, #tpu.memory_space<semaphore_mem>>
        %dma_start3A_47 = arith.constant 0 : i32
        %dma_start3A_48 = tpu.memref_slice %arg8[%scan3A_28, %dma_start3A_47] : memref<40x128xi32, #tpu.memory_space<vmem>> -> memref<1x128xi32, #tpu.memory_space<vmem>>
        %dma_start3A_49 = tpu.memref_squeeze %dma_start3A_48 : memref<1x128xi32, #tpu.memory_space<vmem>> -> memref<128xi32, #tpu.memory_space<vmem>>
        %dma_start3A_50 = arith.constant 0 : i32
        %dma_start3A_51 = arith.constant 0 : i32
        %dma_start3A_52 = tpu.memref_slice %arg10[%dma_start3A_50, %dma_start3A_51] : memref<10008x128xf32, #tpu.memory_space<vmem_shared>> -> memref<10008x128xf32, #tpu.memory_space<vmem_shared>>
        tpu.enqueue_indirect_dma source(%arg9 : memref<128x128xf32, #tpu.memory_space<vmem>>) target(%dma_start3A_52 : memref<10008x128xf32, #tpu.memory_space<vmem_shared>>) offsets(%dma_start3A_49 : memref<128xi32, #tpu.memory_space<vmem>>) semaphore(%run_scoped3A : memref<!tpu.dma_semaphore, #tpu.memory_space<semaphore_mem>>) {add = true}
        %dma_wait3A_53 = arith.constant 0 : i32
        %dma_wait3A_54 = tpu.memref_slice %arg8[%scan3A_28, %dma_wait3A_53] : memref<40x128xi32, #tpu.memory_space<vmem>> -> memref<1x128xi32, #tpu.memory_space<vmem>>
        %dma_wait3A_55 = tpu.memref_squeeze %dma_wait3A_54 : memref<1x128xi32, #tpu.memory_space<vmem>> -> memref<128xi32, #tpu.memory_space<vmem>>
        %dma_wait3A_56 = arith.constant 0 : i32
        %dma_wait3A_57 = arith.constant 0 : i32
        %dma_wait3A_58 = tpu.memref_slice %arg10[%dma_wait3A_56, %dma_wait3A_57] : memref<10008x128xf32, #tpu.memory_space<vmem_shared>> -> memref<10008x128xf32, #tpu.memory_space<vmem_shared>>
        tpu.wait_indirect_dma semaphore(%run_scoped3A : memref<!tpu.dma_semaphore, #tpu.memory_space<semaphore_mem>>) src(%arg9 : memref<128x128xf32, #tpu.memory_space<vmem>>) dst(%dma_wait3A_58 : memref<10008x128xf32, #tpu.memory_space<vmem_shared>>)
        tpu.yield
      }) : () -> ()
    }
    %scan3A_10 = arith.constant 40 : i32
    "tpu.region"() ({
      %run_scoped3A = tpu.sem_alloc : memref<!tpu.dma_semaphore, #tpu.memory_space<semaphore_mem>>
      %dma_start3A = arith.constant 0 : i32
      %dma_start3A_28 = arith.constant 0 : i32
      %dma_start3A_29 = tpu.memref_slice %arg3[%arg1, %dma_start3A, %dma_start3A_28] : memref<16x80x128xi32, #tpu.memory_space<hbm>> -> memref<1x80x128xi32, #tpu.memory_space<hbm>>
      %dma_start3A_30 = tpu.memref_squeeze %dma_start3A_29 : memref<1x80x128xi32, #tpu.memory_space<hbm>> -> memref<80x128xi32, #tpu.memory_space<hbm>>
      %dma_start3A_31 = arith.constant 40 : i32
      %dma_start3A_32 = arith.constant 0 : i32
      %dma_start3A_33 = tpu.memref_slice %dma_start3A_30[%dma_start3A_31, %dma_start3A_32] : memref<80x128xi32, #tpu.memory_space<hbm>> -> memref<40x128xi32, #tpu.memory_space<hbm>>
      %dma_start3A_34 = arith.constant 0 : i32
      %dma_start3A_35 = arith.constant 0 : i32
      %dma_start3A_36 = tpu.memref_slice %arg3[%arg1, %dma_start3A_34, %dma_start3A_35] : memref<16x80x128xi32, #tpu.memory_space<hbm>> -> memref<1x80x128xi32, #tpu.memory_space<hbm>>
      %dma_start3A_37 = tpu.memref_squeeze %dma_start3A_36 : memref<1x80x128xi32, #tpu.memory_space<hbm>> -> memref<80x128xi32, #tpu.memory_space<hbm>>
      %dma_start3A_38 = arith.constant 40 : i32
      %dma_start3A_39 = arith.constant 0 : i32
      %dma_start3A_40 = tpu.memref_slice %dma_start3A_37[%dma_start3A_38, %dma_start3A_39] : memref<80x128xi32, #tpu.memory_space<hbm>> -> memref<40x128xi32, #tpu.memory_space<hbm>>
      tpu.enqueue_dma source(%dma_start3A_40 : memref<40x128xi32, #tpu.memory_space<hbm>>) target(%arg7 : memref<40x128xi32, #tpu.memory_space<vmem>>) target_semaphore(%run_scoped3A : memref<!tpu.dma_semaphore, #tpu.memory_space<semaphore_mem>>)
      %dma_wait3A = arith.constant 0 : i32
      %dma_wait3A_41 = arith.constant 0 : i32
      %dma_wait3A_42 = tpu.memref_slice %arg3[%arg1, %dma_wait3A, %dma_wait3A_41] : memref<16x80x128xi32, #tpu.memory_space<hbm>> -> memref<1x80x128xi32, #tpu.memory_space<hbm>>
      %dma_wait3A_43 = tpu.memref_squeeze %dma_wait3A_42 : memref<1x80x128xi32, #tpu.memory_space<hbm>> -> memref<80x128xi32, #tpu.memory_space<hbm>>
      %dma_wait3A_44 = arith.constant 40 : i32
      %dma_wait3A_45 = arith.constant 0 : i32
      %dma_wait3A_46 = tpu.memref_slice %dma_wait3A_43[%dma_wait3A_44, %dma_wait3A_45] : memref<80x128xi32, #tpu.memory_space<hbm>> -> memref<40x128xi32, #tpu.memory_space<hbm>>
      %dma_wait3A_47 = arith.constant 0 : i32
      %dma_wait3A_48 = arith.constant 0 : i32
      %dma_wait3A_49 = tpu.memref_slice %arg3[%arg1, %dma_wait3A_47, %dma_wait3A_48] : memref<16x80x128xi32, #tpu.memory_space<hbm>> -> memref<1x80x128xi32, #tpu.memory_space<hbm>>
      %dma_wait3A_50 = tpu.memref_squeeze %dma_wait3A_49 : memref<1x80x128xi32, #tpu.memory_space<hbm>> -> memref<80x128xi32, #tpu.memory_space<hbm>>
      %dma_wait3A_51 = arith.constant 40 : i32
      %dma_wait3A_52 = arith.constant 0 : i32
      %dma_wait3A_53 = tpu.memref_slice %dma_wait3A_50[%dma_wait3A_51, %dma_wait3A_52] : memref<80x128xi32, #tpu.memory_space<hbm>> -> memref<40x128xi32, #tpu.memory_space<hbm>>
      tpu.wait_dma2 semaphore(%run_scoped3A : memref<!tpu.dma_semaphore, #tpu.memory_space<semaphore_mem>>) src(%dma_wait3A_53 : memref<40x128xi32, #tpu.memory_space<hbm>>) dst(%arg7 : memref<40x128xi32, #tpu.memory_space<vmem>>)
      tpu.yield
    }) : () -> ()
    "tpu.region"() ({
      %run_scoped3A = tpu.sem_alloc : memref<!tpu.dma_semaphore, #tpu.memory_space<semaphore_mem>>
      %dma_start3A = arith.constant 0 : i32
      %dma_start3A_28 = arith.constant 0 : i32
      %dma_start3A_29 = tpu.memref_slice %arg4[%arg1, %dma_start3A, %dma_start3A_28] : memref<16x80x128xi32, #tpu.memory_space<hbm>> -> memref<1x80x128xi32, #tpu.memory_space<hbm>>
      %dma_start3A_30 = tpu.memref_squeeze %dma_start3A_29 : memref<1x80x128xi32, #tpu.memory_space<hbm>> -> memref<80x128xi32, #tpu.memory_space<hbm>>
      %dma_start3A_31 = arith.constant 40 : i32
      %dma_start3A_32 = arith.constant 0 : i32
      %dma_start3A_33 = tpu.memref_slice %dma_start3A_30[%dma_start3A_31, %dma_start3A_32] : memref<80x128xi32, #tpu.memory_space<hbm>> -> memref<40x128xi32, #tpu.memory_space<hbm>>
      %dma_start3A_34 = arith.constant 0 : i32
      %dma_start3A_35 = arith.constant 0 : i32
      %dma_start3A_36 = tpu.memref_slice %arg4[%arg1, %dma_start3A_34, %dma_start3A_35] : memref<16x80x128xi32, #tpu.memory_space<hbm>> -> memref<1x80x128xi32, #tpu.memory_space<hbm>>
      %dma_start3A_37 = tpu.memref_squeeze %dma_start3A_36 : memref<1x80x128xi32, #tpu.memory_space<hbm>> -> memref<80x128xi32, #tpu.memory_space<hbm>>
      %dma_start3A_38 = arith.constant 40 : i32
      %dma_start3A_39 = arith.constant 0 : i32
      %dma_start3A_40 = tpu.memref_slice %dma_start3A_37[%dma_start3A_38, %dma_start3A_39] : memref<80x128xi32, #tpu.memory_space<hbm>> -> memref<40x128xi32, #tpu.memory_space<hbm>>
      tpu.enqueue_dma source(%dma_start3A_40 : memref<40x128xi32, #tpu.memory_space<hbm>>) target(%arg8 : memref<40x128xi32, #tpu.memory_space<vmem>>) target_semaphore(%run_scoped3A : memref<!tpu.dma_semaphore, #tpu.memory_space<semaphore_mem>>)
      %dma_wait3A = arith.constant 0 : i32
      %dma_wait3A_41 = arith.constant 0 : i32
      %dma_wait3A_42 = tpu.memref_slice %arg4[%arg1, %dma_wait3A, %dma_wait3A_41] : memref<16x80x128xi32, #tpu.memory_space<hbm>> -> memref<1x80x128xi32, #tpu.memory_space<hbm>>
      %dma_wait3A_43 = tpu.memref_squeeze %dma_wait3A_42 : memref<1x80x128xi32, #tpu.memory_space<hbm>> -> memref<80x128xi32, #tpu.memory_space<hbm>>
      %dma_wait3A_44 = arith.constant 40 : i32
      %dma_wait3A_45 = arith.constant 0 : i32
      %dma_wait3A_46 = tpu.memref_slice %dma_wait3A_43[%dma_wait3A_44, %dma_wait3A_45] : memref<80x128xi32, #tpu.memory_space<hbm>> -> memref<40x128xi32, #tpu.memory_space<hbm>>
      %dma_wait3A_47 = arith.constant 0 : i32
      %dma_wait3A_48 = arith.constant 0 : i32
      %dma_wait3A_49 = tpu.memref_slice %arg4[%arg1, %dma_wait3A_47, %dma_wait3A_48] : memref<16x80x128xi32, #tpu.memory_space<hbm>> -> memref<1x80x128xi32, #tpu.memory_space<hbm>>
      %dma_wait3A_50 = tpu.memref_squeeze %dma_wait3A_49 : memref<1x80x128xi32, #tpu.memory_space<hbm>> -> memref<80x128xi32, #tpu.memory_space<hbm>>
      %dma_wait3A_51 = arith.constant 40 : i32
      %dma_wait3A_52 = arith.constant 0 : i32
      %dma_wait3A_53 = tpu.memref_slice %dma_wait3A_50[%dma_wait3A_51, %dma_wait3A_52] : memref<80x128xi32, #tpu.memory_space<hbm>> -> memref<40x128xi32, #tpu.memory_space<hbm>>
      tpu.wait_dma2 semaphore(%run_scoped3A : memref<!tpu.dma_semaphore, #tpu.memory_space<semaphore_mem>>) src(%dma_wait3A_53 : memref<40x128xi32, #tpu.memory_space<hbm>>) dst(%arg8 : memref<40x128xi32, #tpu.memory_space<vmem>>)
      tpu.yield
    }) : () -> ()
    %scan3A_11 = arith.constant 0 : i32
    %scan3A_12 = arith.constant 0 : i32
    %scan3A_13 = arith.constant 40 : i32
    %scan3A_14 = arith.addi %scan3A_12, %scan3A_13 : i32
    %scan3A_15 = arith.constant 1 : i32
    scf.for %scan3A_28 = %scan3A_12 to %scan3A_14 step %scan3A_15  : i32 {
      %dma_start3A = arith.constant 0 : i32
      %dma_start3A_29 = tpu.memref_slice %arg7[%scan3A_28, %dma_start3A] : memref<40x128xi32, #tpu.memory_space<vmem>> -> memref<1x128xi32, #tpu.memory_space<vmem>>
      %dma_start3A_30 = tpu.memref_squeeze %dma_start3A_29 : memref<1x128xi32, #tpu.memory_space<vmem>> -> memref<128xi32, #tpu.memory_space<vmem>>
      %dma_start3A_31 = arith.constant 0 : i32
      %dma_start3A_32 = arith.constant 0 : i32
      %dma_start3A_33 = tpu.memref_slice %arg2[%arg0, %dma_start3A_31, %dma_start3A_32] : memref<2x10000x128xf32, #tpu.memory_space<hbm>> -> memref<1x10000x128xf32, #tpu.memory_space<hbm>>
      %dma_start3A_34 = tpu.memref_squeeze %dma_start3A_33 : memref<1x10000x128xf32, #tpu.memory_space<hbm>> -> memref<10000x128xf32, #tpu.memory_space<hbm>>
      %dma_start3A_35 = arith.constant 0 : i32
      %dma_start3A_36 = arith.constant 0 : i32
      %dma_start3A_37 = tpu.memref_slice %dma_start3A_34[%dma_start3A_35, %dma_start3A_36] : memref<10000x128xf32, #tpu.memory_space<hbm>> -> memref<10000x128xf32, #tpu.memory_space<hbm>>
      tpu.enqueue_indirect_dma source(%dma_start3A_37 : memref<10000x128xf32, #tpu.memory_space<hbm>>) target(%arg9 : memref<128x128xf32, #tpu.memory_space<vmem>>) offsets(%dma_start3A_30 : memref<128xi32, #tpu.memory_space<vmem>>) semaphore(%arg11 : memref<!tpu.dma_semaphore, #tpu.memory_space<semaphore_mem>>)
      %dma_wait3A = arith.constant 0 : i32
      %dma_wait3A_38 = tpu.memref_slice %arg7[%scan3A_28, %dma_wait3A] : memref<40x128xi32, #tpu.memory_space<vmem>> -> memref<1x128xi32, #tpu.memory_space<vmem>>
      %dma_wait3A_39 = tpu.memref_squeeze %dma_wait3A_38 : memref<1x128xi32, #tpu.memory_space<vmem>> -> memref<128xi32, #tpu.memory_space<vmem>>
      %dma_wait3A_40 = arith.constant 0 : i32
      %dma_wait3A_41 = arith.constant 0 : i32
      %dma_wait3A_42 = tpu.memref_slice %arg2[%arg0, %dma_wait3A_40, %dma_wait3A_41] : memref<2x10000x128xf32, #tpu.memory_space<hbm>> -> memref<1x10000x128xf32, #tpu.memory_space<hbm>>
      %dma_wait3A_43 = tpu.memref_squeeze %dma_wait3A_42 : memref<1x10000x128xf32, #tpu.memory_space<hbm>> -> memref<10000x128xf32, #tpu.memory_space<hbm>>
      %dma_wait3A_44 = arith.constant 0 : i32
      %dma_wait3A_45 = arith.constant 0 : i32
      %dma_wait3A_46 = tpu.memref_slice %dma_wait3A_43[%dma_wait3A_44, %dma_wait3A_45] : memref<10000x128xf32, #tpu.memory_space<hbm>> -> memref<10000x128xf32, #tpu.memory_space<hbm>>
      tpu.wait_indirect_dma semaphore(%arg11 : memref<!tpu.dma_semaphore, #tpu.memory_space<semaphore_mem>>) src(%dma_wait3A_46 : memref<10000x128xf32, #tpu.memory_space<hbm>>) dst(%arg9 : memref<128x128xf32, #tpu.memory_space<vmem>>)
      "tpu.region"() ({
        %run_scoped3A = tpu.sem_alloc : memref<!tpu.dma_semaphore, #tpu.memory_space<semaphore_mem>>
        %dma_start3A_47 = arith.constant 0 : i32
        %dma_start3A_48 = tpu.memref_slice %arg8[%scan3A_28, %dma_start3A_47] : memref<40x128xi32, #tpu.memory_space<vmem>> -> memref<1x128xi32, #tpu.memory_space<vmem>>
        %dma_start3A_49 = tpu.memref_squeeze %dma_start3A_48 : memref<1x128xi32, #tpu.memory_space<vmem>> -> memref<128xi32, #tpu.memory_space<vmem>>
        %dma_start3A_50 = arith.constant 0 : i32
        %dma_start3A_51 = arith.constant 0 : i32
        %dma_start3A_52 = tpu.memref_slice %arg10[%dma_start3A_50, %dma_start3A_51] : memref<10008x128xf32, #tpu.memory_space<vmem_shared>> -> memref<10008x128xf32, #tpu.memory_space<vmem_shared>>
        tpu.enqueue_indirect_dma source(%arg9 : memref<128x128xf32, #tpu.memory_space<vmem>>) target(%dma_start3A_52 : memref<10008x128xf32, #tpu.memory_space<vmem_shared>>) offsets(%dma_start3A_49 : memref<128xi32, #tpu.memory_space<vmem>>) semaphore(%run_scoped3A : memref<!tpu.dma_semaphore, #tpu.memory_space<semaphore_mem>>) {add = true}
        %dma_wait3A_53 = arith.constant 0 : i32
        %dma_wait3A_54 = tpu.memref_slice %arg8[%scan3A_28, %dma_wait3A_53] : memref<40x128xi32, #tpu.memory_space<vmem>> -> memref<1x128xi32, #tpu.memory_space<vmem>>
        %dma_wait3A_55 = tpu.memref_squeeze %dma_wait3A_54 : memref<1x128xi32, #tpu.memory_space<vmem>> -> memref<128xi32, #tpu.memory_space<vmem>>
        %dma_wait3A_56 = arith.constant 0 : i32
        %dma_wait3A_57 = arith.constant 0 : i32
        %dma_wait3A_58 = tpu.memref_slice %arg10[%dma_wait3A_56, %dma_wait3A_57] : memref<10008x128xf32, #tpu.memory_space<vmem_shared>> -> memref<10008x128xf32, #tpu.memory_space<vmem_shared>>
        tpu.wait_indirect_dma semaphore(%run_scoped3A : memref<!tpu.dma_semaphore, #tpu.memory_space<semaphore_mem>>) src(%arg9 : memref<128x128xf32, #tpu.memory_space<vmem>>) dst(%dma_wait3A_58 : memref<10008x128xf32, #tpu.memory_space<vmem_shared>>)
        tpu.yield
      }) : () -> ()
    }
    %scan3A_16 = arith.constant 40 : i32
    %barrier3A_17 = arith.constant 0 : index
    tpu.barrier barrier_id(%barrier3A_17)
    %lt3A_18 = arith.constant 15 : i32
    %lt3A_19 = arith.cmpi slt, %arg1, %lt3A_18 : i32
    %convert_element_type3A_20 = arith.extui %lt3A_19 : i1 to i32
    %cond3A_21 = arith.constant 0 : i32
    %cond3A_22 = arith.cmpi ne, %convert_element_type3A_20, %cond3A_21 : i32
    scf.if %cond3A_22 {
      %mul3A = arith.constant 640 : i32
      %mul3A_28 = arith.muli %arg1, %mul3A : i32
      %multiple_of3A = tpu.assume_multiple %mul3A_28, 8 : i32
      "tpu.region"() ({
        %run_scoped3A = tpu.sem_alloc : memref<!tpu.dma_semaphore, #tpu.memory_space<semaphore_mem>>
        %dma_start3A = arith.constant 0 : i32
        %dma_start3A_29 = arith.constant 0 : i32
        %dma_start3A_30 = tpu.memref_slice %arg6[%arg0, %dma_start3A, %dma_start3A_29] : memref<2x10000x128xf32, #tpu.memory_space<hbm>> -> memref<1x10000x128xf32, #tpu.memory_space<hbm>>
        %dma_start3A_31 = tpu.memref_squeeze %dma_start3A_30 : memref<1x10000x128xf32, #tpu.memory_space<hbm>> -> memref<10000x128xf32, #tpu.memory_space<hbm>>
        %dma_start3A_32 = arith.constant 0 : i32
        %dma_start3A_33 = tpu.memref_slice %dma_start3A_31[%multiple_of3A, %dma_start3A_32] : memref<10000x128xf32, #tpu.memory_space<hbm>> -> memref<640x128xf32, #tpu.memory_space<hbm>>
        %dma_start3A_34 = arith.constant 0 : i32
        %dma_start3A_35 = tpu.memref_slice %arg10[%multiple_of3A, %dma_start3A_34] : memref<10008x128xf32, #tpu.memory_space<vmem_shared>> -> memref<640x128xf32, #tpu.memory_space<vmem_shared>>
        tpu.enqueue_dma source(%dma_start3A_35 : memref<640x128xf32, #tpu.memory_space<vmem_shared>>) target(%dma_start3A_33 : memref<640x128xf32, #tpu.memory_space<hbm>>) target_semaphore(%run_scoped3A : memref<!tpu.dma_semaphore, #tpu.memory_space<semaphore_mem>>)
        %dma_wait3A = arith.constant 0 : i32
        %dma_wait3A_36 = arith.constant 0 : i32
        %dma_wait3A_37 = tpu.memref_slice %arg6[%arg0, %dma_wait3A, %dma_wait3A_36] : memref<2x10000x128xf32, #tpu.memory_space<hbm>> -> memref<1x10000x128xf32, #tpu.memory_space<hbm>>
        %dma_wait3A_38 = tpu.memref_squeeze %dma_wait3A_37 : memref<1x10000x128xf32, #tpu.memory_space<hbm>> -> memref<10000x128xf32, #tpu.memory_space<hbm>>
        %dma_wait3A_39 = arith.constant 0 : i32
        %dma_wait3A_40 = tpu.memref_slice %dma_wait3A_38[%multiple_of3A, %dma_wait3A_39] : memref<10000x128xf32, #tpu.memory_space<hbm>> -> memref<640x128xf32, #tpu.memory_space<hbm>>
        %dma_wait3A_41 = arith.constant 0 : i32
        %dma_wait3A_42 = tpu.memref_slice %arg10[%multiple_of3A, %dma_wait3A_41] : memref<10008x128xf32, #tpu.memory_space<vmem_shared>> -> memref<640x128xf32, #tpu.memory_space<vmem_shared>>
        tpu.wait_dma2 semaphore(%run_scoped3A : memref<!tpu.dma_semaphore, #tpu.memory_space<semaphore_mem>>) src(%dma_wait3A_42 : memref<640x128xf32, #tpu.memory_space<vmem_shared>>) dst(%dma_wait3A_40 : memref<640x128xf32, #tpu.memory_space<hbm>>)
        tpu.yield
      }) : () -> ()
    } else {
    }
    %eq3A_23 = arith.constant 15 : i32
    %eq3A_24 = arith.cmpi eq, %arg1, %eq3A_23 : i32
    %convert_element_type3A_25 = arith.extui %eq3A_24 : i1 to i32
    %cond3A_26 = arith.constant 0 : i32
    %cond3A_27 = arith.cmpi ne, %convert_element_type3A_25, %cond3A_26 : i32
    scf.if %cond3A_27 {
      "tpu.region"() ({
        %run_scoped3A = tpu.sem_alloc : memref<!tpu.dma_semaphore, #tpu.memory_space<semaphore_mem>>
        %dma_start3A = arith.constant 0 : i32
        %dma_start3A_28 = arith.constant 0 : i32
        %dma_start3A_29 = tpu.memref_slice %arg6[%arg0, %dma_start3A, %dma_start3A_28] : memref<2x10000x128xf32, #tpu.memory_space<hbm>> -> memref<1x10000x128xf32, #tpu.memory_space<hbm>>
        %dma_start3A_30 = tpu.memref_squeeze %dma_start3A_29 : memref<1x10000x128xf32, #tpu.memory_space<hbm>> -> memref<10000x128xf32, #tpu.memory_space<hbm>>
        %dma_start3A_31 = arith.constant 9600 : i32
        %dma_start3A_32 = arith.constant 0 : i32
        %dma_start3A_33 = tpu.memref_slice %dma_start3A_30[%dma_start3A_31, %dma_start3A_32] : memref<10000x128xf32, #tpu.memory_space<hbm>> -> memref<400x128xf32, #tpu.memory_space<hbm>>
        %dma_start3A_34 = arith.constant 9600 : i32
        %dma_start3A_35 = arith.constant 0 : i32
        %dma_start3A_36 = tpu.memref_slice %arg10[%dma_start3A_34, %dma_start3A_35] : memref<10008x128xf32, #tpu.memory_space<vmem_shared>> -> memref<400x128xf32, #tpu.memory_space<vmem_shared>>
        tpu.enqueue_dma source(%dma_start3A_36 : memref<400x128xf32, #tpu.memory_space<vmem_shared>>) target(%dma_start3A_33 : memref<400x128xf32, #tpu.memory_space<hbm>>) target_semaphore(%run_scoped3A : memref<!tpu.dma_semaphore, #tpu.memory_space<semaphore_mem>>)
        %dma_wait3A = arith.constant 0 : i32
        %dma_wait3A_37 = arith.constant 0 : i32
        %dma_wait3A_38 = tpu.memref_slice %arg6[%arg0, %dma_wait3A, %dma_wait3A_37] : memref<2x10000x128xf32, #tpu.memory_space<hbm>> -> memref<1x10000x128xf32, #tpu.memory_space<hbm>>
        %dma_wait3A_39 = tpu.memref_squeeze %dma_wait3A_38 : memref<1x10000x128xf32, #tpu.memory_space<hbm>> -> memref<10000x128xf32, #tpu.memory_space<hbm>>
        %dma_wait3A_40 = arith.constant 9600 : i32
        %dma_wait3A_41 = arith.constant 0 : i32
        %dma_wait3A_42 = tpu.memref_slice %dma_wait3A_39[%dma_wait3A_40, %dma_wait3A_41] : memref<10000x128xf32, #tpu.memory_space<hbm>> -> memref<400x128xf32, #tpu.memory_space<hbm>>
        %dma_wait3A_43 = arith.constant 9600 : i32
        %dma_wait3A_44 = arith.constant 0 : i32
        %dma_wait3A_45 = tpu.memref_slice %arg10[%dma_wait3A_43, %dma_wait3A_44] : memref<10008x128xf32, #tpu.memory_space<vmem_shared>> -> memref<400x128xf32, #tpu.memory_space<vmem_shared>>
        tpu.wait_dma2 semaphore(%run_scoped3A : memref<!tpu.dma_semaphore, #tpu.memory_space<semaphore_mem>>) src(%dma_wait3A_45 : memref<400x128xf32, #tpu.memory_space<vmem_shared>>) dst(%dma_wait3A_42 : memref<400x128xf32, #tpu.memory_space<hbm>>)
        tpu.yield
      }) : () -> ()
    } else {
    }
    return
  }
}

module attributes {stable_mosaic.version = 14 : i64} {
  func.func @_b_body(%arg0: i32, %arg1: memref<1000x256xf32, #tpu.memory_space<vmem>>, %arg2: memref<256x256xf32, #tpu.memory_space<vmem>>, %arg3: memref<2x1000x128xf32, #tpu.memory_space<vmem>>, %arg4: memref<2x1000x128xf32, #tpu.memory_space<vmem>>, %arg5: memref<1000x1xf32, #tpu.memory_space<vmem>>) attributes {dimension_semantics = [#tpu.dimension_semantics<arbitrary>], iteration_bounds = array<i64: 10>, scalar_prefetch = 0 : i64, scratch_operands = 0 : i64, tpu.core_type = #tpu.core_type<tc>, window_params = [{transform_indices = @transform_0, window_bounds = array<i64: 1000, 256>}, {pipeline_mode = #tpu.pipeline_mode<synchronous>, transform_indices = @transform_1, window_bounds = array<i64: 256, 256>}, {transform_indices = @transform_2, window_bounds = array<i64: 2, 1000, 128>}, {transform_indices = @transform_3, window_bounds = array<i64: 2, 1000, 128>}, {transform_indices = @transform_4, window_bounds = array<i64: 1000, 1>}]} {
    %get3A = arith.constant 0 : index
    %get3A_0 = arith.constant 0 : index
    %get3A_1 = arith.constant 0 : index
    %get3A_2 = vector.load %arg3[%get3A, %get3A_0, %get3A_1] : memref<2x1000x128xf32, #tpu.memory_space<vmem>>, vector<1x1000x1xf32>
    %get3A_3 = vector.shape_cast %get3A_2 : vector<1x1000x1xf32> to vector<1000x1xf32>
    %get3A_4 = arith.constant 1 : index
    %get3A_5 = arith.constant 0 : index
    %get3A_6 = arith.constant 0 : index
    %get3A_7 = vector.load %arg3[%get3A_4, %get3A_5, %get3A_6] : memref<2x1000x128xf32, #tpu.memory_space<vmem>>, vector<1x1000x1xf32>
    %get3A_8 = vector.shape_cast %get3A_7 : vector<1x1000x1xf32> to vector<1000x1xf32>
    %add3A = arith.addf %get3A_3, %get3A_8 : vector<1000x1xf32>
    %add3A_9 = arith.constant 1.000000e+00 : f32
    %add3A_10 = vector.broadcast %add3A_9 : f32 to vector<1000x1xf32>
    %add3A_11 = arith.addf %add3A, %add3A_10 : vector<1000x1xf32>
    %rsqrt3A = math.rsqrt %add3A_11 : vector<1000x1xf32>
    %swap3A = arith.constant 0 : index
    %swap3A_12 = arith.constant 0 : index
    %swap3A_13 = vector.load %arg5[%swap3A, %swap3A_12] : memref<1000x1xf32, #tpu.memory_space<vmem>>, vector<1000x1xf32>
    tpu.vector_store %arg5[%swap3A, %swap3A_12], %rsqrt3A {strides = array<i32>} : memref<1000x1xf32, #tpu.memory_space<vmem>>, vector<1000x1xf32>,
    %get3A_14 = arith.constant 0 : index
    %get3A_15 = arith.constant 0 : index
    %get3A_16 = vector.load %arg1[%get3A_14, %get3A_15] : memref<1000x256xf32, #tpu.memory_space<vmem>>, vector<1000x256xf32>
    %get3A_17 = arith.constant 0 : index
    %get3A_18 = arith.constant 0 : index
    %get3A_19 = vector.load %arg2[%get3A_17, %get3A_18] : memref<256x256xf32, #tpu.memory_space<vmem>>, vector<256x256xf32>
    %dot_general3A = arith.constant dense<0.000000e+00> : vector<1000x256xf32>
    %dot_general3A_20 = tpu.matmul %get3A_16, %get3A_19, %dot_general3A {dimension_numbers = #tpu.dot_dimension_numbers<[1], [0], [0], [1], [0, 0, 1, 1], [], []>, transpose_lhs_hint = false} : vector<1000x256xf32>, vector<256x256xf32>, vector<1000x256xf32> -> vector<1000x256xf32>
    %mul3A = vector.broadcast %rsqrt3A : vector<1000x1xf32> to vector<1000x256xf32>
    %mul3A_21 = arith.mulf %mul3A, %dot_general3A_20 : vector<1000x256xf32>
    %slice3A = vector.extract_strided_slice %mul3A_21 {offsets = [0, 0], sizes = [1000, 128], strides = [1, 1]} : vector<1000x256xf32> to vector<1000x128xf32>
    %swap3A_22 = arith.constant 0 : index
    %swap3A_23 = arith.constant 0 : index
    %swap3A_24 = arith.constant 0 : index
    %swap3A_25 = vector.load %arg4[%swap3A_22, %swap3A_23, %swap3A_24] : memref<2x1000x128xf32, #tpu.memory_space<vmem>>, vector<1x1000x128xf32>
    %swap3A_26 = vector.shape_cast %swap3A_25 : vector<1x1000x128xf32> to vector<1000x128xf32>
    %swap3A_27 = vector.shape_cast %slice3A : vector<1000x128xf32> to vector<1x1000x128xf32>
    tpu.vector_store %arg4[%swap3A_22, %swap3A_23, %swap3A_24], %swap3A_27 {strides = array<i32>} : memref<2x1000x128xf32, #tpu.memory_space<vmem>>, vector<1x1000x128xf32>,
    %slice3A_28 = vector.extract_strided_slice %mul3A_21 {offsets = [0, 128], sizes = [1000, 128], strides = [1, 1]} : vector<1000x256xf32> to vector<1000x128xf32>
    %swap3A_29 = arith.constant 1 : index
    %swap3A_30 = arith.constant 0 : index
    %swap3A_31 = arith.constant 0 : index
    %swap3A_32 = vector.load %arg4[%swap3A_29, %swap3A_30, %swap3A_31] : memref<2x1000x128xf32, #tpu.memory_space<vmem>>, vector<1x1000x128xf32>
    %swap3A_33 = vector.shape_cast %swap3A_32 : vector<1x1000x128xf32> to vector<1000x128xf32>
    %swap3A_34 = vector.shape_cast %slice3A_28 : vector<1000x128xf32> to vector<1x1000x128xf32>
    tpu.vector_store %arg4[%swap3A_29, %swap3A_30, %swap3A_31], %swap3A_34 {strides = array<i32>} : memref<2x1000x128xf32, #tpu.memory_space<vmem>>, vector<1x1000x128xf32>,
    return
  }
  func.func @transform_0(%arg0: i32) -> (i32, i32) {
    %c0_i32 = arith.constant 0 : i32
    %c0_i32_0 = arith.constant 0 : i32
    return %arg0, %c0_i32 : i32, i32
  }
  func.func @transform_1(%arg0: i32) -> (i32, i32) {
    %c0_i32 = arith.constant 0 : i32
    %c0_i32_0 = arith.constant 0 : i32
    %c0_i32_1 = arith.constant 0 : i32
    return %c0_i32, %c0_i32_0 : i32, i32
  }
  func.func @transform_2(%arg0: i32) -> (i32, i32, i32) {
    %c0_i32 = arith.constant 0 : i32
    %c0_i32_0 = arith.constant 0 : i32
    %c0_i32_1 = arith.constant 0 : i32
    return %c0_i32, %arg0, %c0_i32_0 : i32, i32, i32
  }
  func.func @transform_3(%arg0: i32) -> (i32, i32, i32) {
    %c0_i32 = arith.constant 0 : i32
    %c0_i32_0 = arith.constant 0 : i32
    %c0_i32_1 = arith.constant 0 : i32
    return %c0_i32, %arg0, %c0_i32_0 : i32, i32, i32
  }
  func.func @transform_4(%arg0: i32) -> (i32, i32) {
    %c0_i32 = arith.constant 0 : i32
    %c0_i32_0 = arith.constant 0 : i32
    return %arg0, %c0_i32 : i32, i32
  }
}

module attributes {stable_mosaic.version = 14 : i64} {
  func.func @_d_body(%arg0: i32, %arg1: memref<2x1000x128xf32, #tpu.memory_space<vmem>>, %arg2: memref<2x1000x128xf32, #tpu.memory_space<vmem>>, %arg3: memref<1000x1xf32, #tpu.memory_space<vmem>>, %arg4: memref<1x256xf32, #tpu.memory_space<vmem>>, %arg5: memref<256x128xf32, #tpu.memory_space<vmem>>, %arg6: memref<1000x128xf32, #tpu.memory_space<vmem>>) attributes {dimension_semantics = [#tpu.dimension_semantics<arbitrary>], iteration_bounds = array<i64: 10>, scalar_prefetch = 0 : i64, scratch_operands = 0 : i64, tpu.core_type = #tpu.core_type<tc>, window_params = [{transform_indices = @transform_0, window_bounds = array<i64: 2, 1000, 128>}, {transform_indices = @transform_1, window_bounds = array<i64: 2, 1000, 128>}, {transform_indices = @transform_2, window_bounds = array<i64: 1000, 1>}, {pipeline_mode = #tpu.pipeline_mode<synchronous>, transform_indices = @transform_3, window_bounds = array<i64: 1, 256>}, {pipeline_mode = #tpu.pipeline_mode<synchronous>, transform_indices = @transform_4, window_bounds = array<i64: 256, 128>}, {transform_indices = @transform_5, window_bounds = array<i64: 1000, 128>}]} {
    %get3A = arith.constant 0 : index
    %get3A_0 = arith.constant 0 : index
    %get3A_1 = vector.load %arg3[%get3A, %get3A_0] : memref<1000x1xf32, #tpu.memory_space<vmem>>, vector<1000x1xf32>
    %get3A_2 = arith.constant 0 : index
    %get3A_3 = arith.constant 0 : index
    %get3A_4 = arith.constant 0 : index
    %get3A_5 = vector.load %arg1[%get3A_2, %get3A_3, %get3A_4] : memref<2x1000x128xf32, #tpu.memory_space<vmem>>, vector<1x1000x128xf32>
    %get3A_6 = vector.shape_cast %get3A_5 : vector<1x1000x128xf32> to vector<1000x128xf32>
    %get3A_7 = arith.constant 0 : index
    %get3A_8 = arith.constant 0 : index
    %get3A_9 = arith.constant 0 : index
    %get3A_10 = vector.load %arg2[%get3A_7, %get3A_8, %get3A_9] : memref<2x1000x128xf32, #tpu.memory_space<vmem>>, vector<1x1000x128xf32>
    %get3A_11 = vector.shape_cast %get3A_10 : vector<1x1000x128xf32> to vector<1000x128xf32>
    %add3A = arith.addf %get3A_6, %get3A_11 : vector<1000x128xf32>
    %get3A_12 = arith.constant 1 : index
    %get3A_13 = arith.constant 0 : index
    %get3A_14 = arith.constant 0 : index
    %get3A_15 = vector.load %arg1[%get3A_12, %get3A_13, %get3A_14] : memref<2x1000x128xf32, #tpu.memory_space<vmem>>, vector<1x1000x128xf32>
    %get3A_16 = vector.shape_cast %get3A_15 : vector<1x1000x128xf32> to vector<1000x128xf32>
    %get3A_17 = arith.constant 1 : index
    %get3A_18 = arith.constant 0 : index
    %get3A_19 = arith.constant 0 : index
    %get3A_20 = vector.load %arg2[%get3A_17, %get3A_18, %get3A_19] : memref<2x1000x128xf32, #tpu.memory_space<vmem>>, vector<1x1000x128xf32>
    %get3A_21 = vector.shape_cast %get3A_20 : vector<1x1000x128xf32> to vector<1000x128xf32>
    %add3A_22 = arith.addf %get3A_16, %get3A_21 : vector<1000x128xf32>
    %concatenate3A = tpu.concatenate %add3A, %add3A_22 in 1 : vector<1000x128xf32>, vector<1000x128xf32> -> vector<1000x256xf32>
    %mul3A = vector.broadcast %get3A_1 : vector<1000x1xf32> to vector<1000x256xf32>
    %mul3A_23 = arith.mulf %mul3A, %concatenate3A : vector<1000x256xf32>
    %get3A_24 = arith.constant 0 : index
    %get3A_25 = arith.constant 0 : index
    %get3A_26 = vector.load %arg4[%get3A_24, %get3A_25] : memref<1x256xf32, #tpu.memory_space<vmem>>, vector<1x256xf32>
    %add3A_27 = vector.broadcast %get3A_26 : vector<1x256xf32> to vector<1000x256xf32>
    %add3A_28 = arith.addf %mul3A_23, %add3A_27 : vector<1000x256xf32>
    %max3A = arith.constant 0.000000e+00 : f32
    %max3A_29 = vector.broadcast %max3A : f32 to vector<1000x256xf32>
    %max3A_30 = arith.maximumf %add3A_28, %max3A_29 : vector<1000x256xf32>
    %get3A_31 = arith.constant 0 : index
    %get3A_32 = arith.constant 0 : index
    %get3A_33 = vector.load %arg5[%get3A_31, %get3A_32] : memref<256x128xf32, #tpu.memory_space<vmem>>, vector<256x128xf32>
    %dot_general3A = arith.constant dense<0.000000e+00> : vector<1000x128xf32>
    %dot_general3A_34 = tpu.matmul %max3A_30, %get3A_33, %dot_general3A {dimension_numbers = #tpu.dot_dimension_numbers<[1], [0], [0], [1], [0, 0, 1, 1], [], []>, transpose_lhs_hint = false} : vector<1000x256xf32>, vector<256x128xf32>, vector<1000x128xf32> -> vector<1000x128xf32>
    %mul3A_35 = vector.broadcast %get3A_1 : vector<1000x1xf32> to vector<1000x128xf32>
    %mul3A_36 = arith.mulf %mul3A_35, %dot_general3A_34 : vector<1000x128xf32>
    %swap3A = arith.constant 0 : index
    %swap3A_37 = arith.constant 0 : index
    %swap3A_38 = vector.load %arg6[%swap3A, %swap3A_37] : memref<1000x128xf32, #tpu.memory_space<vmem>>, vector<1000x128xf32>
    tpu.vector_store %arg6[%swap3A, %swap3A_37], %mul3A_36 {strides = array<i32>} : memref<1000x128xf32, #tpu.memory_space<vmem>>, vector<1000x128xf32>,
    return
  }
  func.func @transform_0(%arg0: i32) -> (i32, i32, i32) {
    %c0_i32 = arith.constant 0 : i32
    %c0_i32_0 = arith.constant 0 : i32
    %c0_i32_1 = arith.constant 0 : i32
    return %c0_i32, %arg0, %c0_i32_0 : i32, i32, i32
  }
  func.func @transform_1(%arg0: i32) -> (i32, i32, i32) {
    %c0_i32 = arith.constant 0 : i32
    %c0_i32_0 = arith.constant 0 : i32
    %c0_i32_1 = arith.constant 0 : i32
    return %c0_i32, %arg0, %c0_i32_0 : i32, i32, i32
  }
  func.func @transform_2(%arg0: i32) -> (i32, i32) {
    %c0_i32 = arith.constant 0 : i32
    %c0_i32_0 = arith.constant 0 : i32
    return %arg0, %c0_i32 : i32, i32
  }
  func.func @transform_3(%arg0: i32) -> (i32, i32) {
    %c0_i32 = arith.constant 0 : i32
    %c0_i32_0 = arith.constant 0 : i32
    %c0_i32_1 = arith.constant 0 : i32
    return %c0_i32, %c0_i32_0 : i32, i32
  }
  func.func @transform_4(%arg0: i32) -> (i32, i32) {
    %c0_i32 = arith.constant 0 : i32
    %c0_i32_0 = arith.constant 0 : i32
    %c0_i32_1 = arith.constant 0 : i32
    return %c0_i32, %c0_i32_0 : i32, i32
  }
  func.func @transform_5(%arg0: i32) -> (i32, i32) {
    %c0_i32 = arith.constant 0 : i32
    %c0_i32_0 = arith.constant 0 : i32
    return %arg0, %c0_i32 : i32, i32
  }
}

module attributes {stable_mosaic.version = 14 : i64} {
  func.func @_f_body(%arg0: i32, %arg1: memref<2x1000x128xf32, #tpu.memory_space<vmem>>, %arg2: memref<1000x128xf32, #tpu.memory_space<vmem>>, %arg3: memref<1000x1xf32, #tpu.memory_space<vmem>>, %arg4: memref<1x128xf32, #tpu.memory_space<vmem>>, %arg5: memref<1000x128xf32, #tpu.memory_space<vmem>>) attributes {dimension_semantics = [#tpu.dimension_semantics<arbitrary>], iteration_bounds = array<i64: 10>, scalar_prefetch = 0 : i64, scratch_operands = 0 : i64, tpu.core_type = #tpu.core_type<tc>, window_params = [{transform_indices = @transform_0, window_bounds = array<i64: 2, 1000, 128>}, {transform_indices = @transform_1, window_bounds = array<i64: 1000, 128>}, {transform_indices = @transform_2, window_bounds = array<i64: 1000, 1>}, {pipeline_mode = #tpu.pipeline_mode<synchronous>, transform_indices = @transform_3, window_bounds = array<i64: 1, 128>}, {transform_indices = @transform_4, window_bounds = array<i64: 1000, 128>}]} {
    %get3A = arith.constant 0 : index
    %get3A_0 = arith.constant 0 : index
    %get3A_1 = arith.constant 0 : index
    %get3A_2 = vector.load %arg1[%get3A, %get3A_0, %get3A_1] : memref<2x1000x128xf32, #tpu.memory_space<vmem>>, vector<1x1000x128xf32>
    %get3A_3 = vector.shape_cast %get3A_2 : vector<1x1000x128xf32> to vector<1000x128xf32>
    %get3A_4 = arith.constant 1 : index
    %get3A_5 = arith.constant 0 : index
    %get3A_6 = arith.constant 0 : index
    %get3A_7 = vector.load %arg1[%get3A_4, %get3A_5, %get3A_6] : memref<2x1000x128xf32, #tpu.memory_space<vmem>>, vector<1x1000x128xf32>
    %get3A_8 = vector.shape_cast %get3A_7 : vector<1x1000x128xf32> to vector<1000x128xf32>
    %add3A = arith.addf %get3A_3, %get3A_8 : vector<1000x128xf32>
    %get3A_9 = arith.constant 0 : index
    %get3A_10 = arith.constant 0 : index
    %get3A_11 = vector.load %arg2[%get3A_9, %get3A_10] : memref<1000x128xf32, #tpu.memory_space<vmem>>, vector<1000x128xf32>
    %add3A_12 = arith.addf %add3A, %get3A_11 : vector<1000x128xf32>
    %get3A_13 = arith.constant 0 : index
    %get3A_14 = arith.constant 0 : index
    %get3A_15 = vector.load %arg3[%get3A_13, %get3A_14] : memref<1000x1xf32, #tpu.memory_space<vmem>>, vector<1000x1xf32>
    %mul3A = vector.broadcast %get3A_15 : vector<1000x1xf32> to vector<1000x128xf32>
    %mul3A_16 = arith.mulf %mul3A, %add3A_12 : vector<1000x128xf32>
    %get3A_17 = arith.constant 0 : index
    %get3A_18 = arith.constant 0 : index
    %get3A_19 = vector.load %arg4[%get3A_17, %get3A_18] : memref<1x128xf32, #tpu.memory_space<vmem>>, vector<1x128xf32>
    %add3A_20 = vector.broadcast %get3A_19 : vector<1x128xf32> to vector<1000x128xf32>
    %add3A_21 = arith.addf %mul3A_16, %add3A_20 : vector<1000x128xf32>
    %swap3A = arith.constant 0 : index
    %swap3A_22 = arith.constant 0 : index
    %swap3A_23 = vector.load %arg5[%swap3A, %swap3A_22] : memref<1000x128xf32, #tpu.memory_space<vmem>>, vector<1000x128xf32>
    tpu.vector_store %arg5[%swap3A, %swap3A_22], %add3A_21 {strides = array<i32>} : memref<1000x128xf32, #tpu.memory_space<vmem>>, vector<1000x128xf32>,
    return
  }
  func.func @transform_0(%arg0: i32) -> (i32, i32, i32) {
    %c0_i32 = arith.constant 0 : i32
    %c0_i32_0 = arith.constant 0 : i32
    %c0_i32_1 = arith.constant 0 : i32
    return %c0_i32, %arg0, %c0_i32_0 : i32, i32, i32
  }
  func.func @transform_1(%arg0: i32) -> (i32, i32) {
    %c0_i32 = arith.constant 0 : i32
    %c0_i32_0 = arith.constant 0 : i32
    return %arg0, %c0_i32 : i32, i32
  }
  func.func @transform_2(%arg0: i32) -> (i32, i32) {
    %c0_i32 = arith.constant 0 : i32
    %c0_i32_0 = arith.constant 0 : i32
    return %arg0, %c0_i32 : i32, i32
  }
  func.func @transform_3(%arg0: i32) -> (i32, i32) {
    %c0_i32 = arith.constant 0 : i32
    %c0_i32_0 = arith.constant 0 : i32
    %c0_i32_1 = arith.constant 0 : i32
    return %c0_i32, %c0_i32_0 : i32, i32
  }
  func.func @transform_4(%arg0: i32) -> (i32, i32) {
    %c0_i32 = arith.constant 0 : i32
    %c0_i32_0 = arith.constant 0 : i32
    return %arg0, %c0_i32 : i32, i32
  }
}

</mosaic_0001>

<sc_bundles>
// kernel: kernel.11.cloned.1.call-start
scs
__scs_entry_jumppad:
0x0: {  	(pc) =	sbr.rel $0x88, $3  }
0x1: {  	(tag) =	ssettag $0x0;
	lr =	simm.s32 $0x1  }
0x2: {  	[smem:$0x3F9B] =	sst lr;
	_ =	strace $0xD0000000  }
0x3: {  	_ = 	snop  }
0x4: {  	_ = 	snop  }
0x5: {  	_ = 	snop  }
0x6: {  	_ = 	snop  }
0x7: {  	_ = 	snop  }
__scs_overlays_trampoline_lowered:
0x8: {  	[smem:$0x3FAA] =	sst s0  }
0x9: {  	[smem:$0x3FAB] =	sst s1  }
0xa: {  	[smem:$0x3FAC] =	sst s2  }
0xb: {  	[smem:$0x3FAD] =	sst s3  }
0xc: {  	[smem:$0x3FAE] =	sst s4  }
0xd: {  	[smem:$0x3FAF] =	sst s5  }
0xe: {  	[smem:$0x3FB0] =	sst s6  }
0xf: {  	[smem:$0x3FB1] =	sst s7  }
0x10: {  	[smem:$0x3FB2] =	sst s8  }
0x11: {  	[smem:$0x3FB3] =	sst s9;
	s0 =	simm.s32 @!p0 $0x0  }
0x12: {  	s1 =	sld [smem:$0x3F99];
	s0 =	simm.s32 @p0 $0x1  }
0x13: {  	[smem:$0x3FB4] =	sst s0;
	s0 =	simm.s32 @!p1 $0x0  }
0x14: {  	s2 =	sld [smem:$0x3F98];
	s0 =	simm.s32 @p1 $0x1  }
0x15: {  	[smem:$0x3FB5] =	sst s0;
	s0 =	simm.s32 @!p2 $0x0  }
0x16: {  	s3 =	sld [smem:$0x3FDB];
	s0 =	simm.s32 @p2 $0x1  }
0x17: {  	s4 =	simm.s32 $0x1BF5;
	[smem:$0x3FB7] =	sst s0  }
0x18: {  	s0 =	sld [smem:$0x3F9A];
	_ =	swait.ge [sflag:s4], $0x0  }
0x19: {  	s7 =	sld [smem:$0x3F9B]  }
0x1a: {  	s8 =	sadd.s32 $0xFFFFE003, lr  }
0x1b: {  	s9 =	sadd.s32 $0xFFFFFEF7, lr;
	s5 =	simm.s32 $0xFFFFFFFF;
	p2 =	slt.u32 s8, $0xFFFFF086  }
0x1c: {  	p1 =	slt.u32 s9, $0xF7A;
	s5 =	simm.s32 @!p2 $0x0  }
0x1d: {  	s5 =	simm.s32 @p1 $0x1;
	p0 =	seq.s32 s7, s2  }
0x1e: {  	s7 =	smul.u32 @!p0 $0xF7A, s2;
	p2 =	seq.s32 @!p0 s5, $0x0  }
0x1f: {  	s9 =	smul.u32 $0xF7A, s1;
	s8 =	simm.s32 @!p0 $0x1BF5;
	p2 =	por !p2, p0  }
0x20: {  	[sflag:s8] =	ssyncset.s32 @!p0 $0xFFFFF086;
	s6 =	sadd.s32 @!p0 s3, s7;
	s7 =	simm.s32 @!p0 $0x108  }
0x21: {  	s3 =	sadd.s32 s3, s9;
	s6 =	sadd.s32 @!p0 $0x88, s6;
	s7 =	simm.s32 @p2 $0x1082  }
0x22: {  	[simem:s7], [sflag:s8] =	dma.local @!p0 [hbm:s6], $0xF7A  }
0x23: {  	s9 =	sor.u32 $0xD0000000, s2;
	s6 =	simm.s32 $0x108;
	_ =	swait.ge @!p0 [sflag:s8], $0x0  }
0x24: {  	s3 =	sadd.s32 $0x88, s3;
	s6 =	simm.s32 @!p1 $0x1082;
	[sflag:s4] =	ssyncset.s32 $0xFFFFF086  }
0x25: {  	[simem:s6], [sflag:s4] =	dma.local [hbm:s3], $0xF7A  }
0x26: {  	[smem:$0x3F9B] =	sst s1;
	(tag) =	ssettag s2;
	_ =	strace s9  }
0x27: {  	s1 =	sld [smem:$0x3FAB]  }
0x28: {  	s2 =	sld [smem:$0x3FAC]  }
0x29: {  	s4 =	sld [smem:$0x3FAE]  }
0x2a: {  	p0 =	seq.s32 s5, $0x0;
	s5 =	sld [smem:$0x3FAF]  }
0x2b: {  	s6 =	sld [smem:$0x3FB0]  }
0x2c: {  	s7 =	sld [smem:$0x3FB1]  }
0x2d: {  	s3 =	simm.s32 $0x108;
	s8 =	sld [smem:$0x3FB2]  }
0x2e: {  	s3 =	simm.s32 @!p0 $0x1082;
	s9 =	sld [smem:$0x3FB3]  }
0x2f: {  	lr =	sadd.s32 s0, s3;
	s0 =	sld [smem:$0x3FAA]  }
0x30: {  	s3 =	sld [smem:$0x3FAD]  }
0x31: {  	[smem:$0x3FB6] =	sst s10  }
0x32: {  	s10 =	sld [smem:$0x3FB4];
	_ =	sdelay $0x3  }
0x33: {  	p0 =	seq.s32 s10, $0x1;
	s10 =	sld [smem:$0x3FB6];
	_ =	sdelay $0x3  }
0x34: {  	[smem:$0x3FB6] =	sst s10  }
0x35: {  	s10 =	sld [smem:$0x3FB5];
	_ =	sdelay $0x3  }
0x36: {  	p1 =	seq.s32 s10, $0x1;
	s10 =	sld [smem:$0x3FB6];
	_ =	sdelay $0x3  }
0x37: {  	[smem:$0x3FB6] =	sst s10  }
0x38: {  	s10 =	sld [smem:$0x3FB7]  }
0x39: {  	_ = 	snop;
	(pc) =	sbr.ind lr, $3  }
0x3a: {  	_ = 	snop  }
0x3b: {  	_ = 	snop  }
0x3c: {  	p2 =	seq.s32 s10, $0x1;
	s10 =	sld [smem:$0x3FB6]  }
0x3d: {  	_ =	shalt  }
0x3e: {  	_ =	shalt  }
0x3f: {  	_ =	shalt  }
0x40: {  	_ =	shalt  }
0x41: {  	_ =	shalt  }
0x42: {  	_ =	shalt  }
0x43: {  	_ =	shalt  }
0x44: {  	_ =	shalt  }
0x45: {  	_ =	shalt  }
0x46: {  	_ =	shalt  }
0x47: {  	_ =	shalt  }
0x48: {  	_ =	shalt  }
0x49: {  	_ =	shalt  }
0x4a: {  	_ =	shalt  }
0x4b: {  	_ =	shalt  }
0x4c: {  	_ =	shalt  }
0x4d: {  	_ =	shalt  }
0x4e: {  	_ =	shalt  }
0x4f: {  	_ =	shalt  }
0x50: {  	_ =	shalt  }
0x51: {  	_ =	shalt  }
0x52: {  	_ =	shalt  }
0x53: {  	_ =	shalt  }
0x54: {  	_ =	shalt  }
0x55: {  	_ =	shalt  }
0x56: {  	_ =	shalt  }
0x57: {  	_ =	shalt  }
0x58: {  	_ =	shalt  }
0x59: {  	_ =	shalt  }
0x5a: {  	_ =	shalt  }
0x5b: {  	_ =	shalt  }
0x5c: {  	_ =	shalt  }
0x5d: {  	_ =	shalt  }
0x5e: {  	_ =	shalt  }
0x5f: {  	_ =	shalt  }
0x60: {  	_ =	shalt  }
0x61: {  	_ =	shalt  }
0x62: {  	_ =	shalt  }
0x63: {  	_ =	shalt  }
0x64: {  	_ =	shalt  }
0x65: {  	_ =	shalt  }
0x66: {  	_ =	shalt  }
0x67: {  	_ =	shalt  }
0x68: {  	_ =	shalt  }
0x69: {  	_ =	shalt  }
0x6a: {  	_ =	shalt  }
0x6b: {  	_ =	shalt  }
0x6c: {  	_ =	shalt  }
0x6d: {  	_ =	shalt  }
0x6e: {  	_ =	shalt  }
0x6f: {  	_ =	shalt  }
0x70: {  	_ =	shalt  }
0x71: {  	_ =	shalt  }
0x72: {  	_ =	shalt  }
0x73: {  	_ =	shalt  }
0x74: {  	_ =	shalt  }
0x75: {  	_ =	shalt  }
0x76: {  	_ =	shalt  }
0x77: {  	_ =	shalt  }
0x78: {  	_ =	shalt  }
0x79: {  	_ =	shalt  }
0x7a: {  	_ =	shalt  }
0x7b: {  	_ =	shalt  }
0x7c: {  	_ =	shalt  }
0x7d: {  	_ =	shalt  }
0x7e: {  	_ =	shalt  }
0x7f: {  	_ =	shalt  }
0x80: {  	_ =	shalt  }
0x81: {  	_ =	shalt  }
0x82: {  	_ =	shalt  }
0x83: {  	_ =	shalt  }
0x84: {  	_ =	shalt  }
0x85: {  	_ =	shalt  }
0x86: {  	_ =	shalt  }
0x87: {  	_ =	shalt  }
.Lfunc_end0:
.L_simem_size_0:
called_computation.1_lowered:
.L_overlay_start_0:
0x88: {  	s2 =	sld [smem:$0x3FD9]  }
0x89: {  	s3 =	sld [smem:$0x3FFE];
	_ =	sdelay $0x1  }
0x8a: {  	s1 =	srdreg.scid  }
0x8b: {  	s0 =	sand.u32 $0x1, s1  }
0x8c: {  	s17 =	sshll.u32 s0, $0xA;
	s2 =	sadd.s32 s3, s2  }
0x8d: {  	s2 =	sadd.s32 s2, s17  }
0x8e: {  	[smem:$0x3FC2] =	sst s2  }
0x8f: {  	_ = 	snop  }
0x90: {  	s2 =	sld [smem:$0x3FD0];
	(tm) =	ssettm $0x1  }
0x91: {  	s18 =	sld [smem:$0x3FFB];
	_ =	sdelay $0x3  }
0x92: {  	_ =	strace s18  }
0x93: {  	s3 =	sld [smem:$0x3FFC];
	_ =	sdelay $0x3  }
0x94: {  	_ =	strace s3  }
0x95: {  	s3 =	sld [smem:$0x3FFD];
	_ =	sdelay $0x3  }
0x96: {  	_ =	strace s3  }
0x97: {  	_ =	strace $0x8FFFFFFF  }
0x98: {  	s19 =	sld [smem:$0x3FDB];
	_ =	sdelay $0x1  }
0x99: {  	s4 =	simm.s32 $_scs_section_size  }
0x9a: {  	s5 =	simm.s32 $_size__tile_overlayer_lowered;
	s6 =	simm.s32 $_tile_overlayer_lowered  }
0x9b: {  	s22 =	simm.s32 $0x1BFF;
	s21 =	sshll.u32 s6, $0x1;
	s3 =	sadd.s32 s4, s19  }
0x9c: {  	s7 =	simm.s32 $0x0;
	s20 =	sshll.u32 s5, $0x1;
	s5 =	sadd.s32 s21, s3  }
0x9d: {  	[timem:s7], [sflag:s22] =	dma.local [hbm:s5], s20  }
0x9e: {  	_ =	swait.ge [sflag:s22], s20  }
0x9f: {  	s4 =	ssub.s32 $0x0, s20;
	[sflag:s22] =	ssyncset.done $0x0  }
0xa0: {  	[sflag:s22] =	ssyncadd.s32 s4;
	_ =	sdelay $0x1  }
0xa1: {  	s23 =	simm.s32 $0x1B8B  }
0xa2: {  	_ =	swait.ge [sflag:s23], $0x1  }
0xa3: {  	[sflag:s23] =	ssyncset.done $0x0  }
0xa4: {  	s25 =	simm.s32 $0x1B8E;
	s24 =	sld [smem:$0x3FFE];
	[sflag:s23] =	ssyncadd.s32 $0xFFFFFFFF  }
0xa5: {  	s26 =	simm.s32 $execute0_lowered;
	[smem:$0x3FD2] =	sst s25  }
0xa6: {  	s5 =	sshll.u32 s26, $0x1;
	_ =	strace $0x80000049;
	[dreg:$0x1] =	wrdreg $0xFFFFFFFF  }
0xa7: {  	s28 =	simm.s32 $_size_execute0_lowered;
	s3 =	sadd.s32 s3, s5;
	[dreg:$0x0] =	wrdreg $0x0  }
0xa8: {  	s5 =	sshll.u32 s28, $0x1;
	[dreg:$0x2] =	wrdreg s3  }
0xa9: {  	[dreg:$0x3] =	wrdreg s5  }
0xaa: {  	[dreg:$0x4] =	wrdreg $0xC0  }
0xab: {  	_ =	task [dreg:s7], $0x5FFFF  }
0xac: {  	[dreg:$0x1] =	wrdreg $0xFFFFFFFF  }
0xad: {  	[dreg:$0x0] =	wrdreg $0x60  }
0xae: {  	[dreg:$0x2] =	wrdreg s24  }
0xaf: {  	[dreg:$0x3] =	wrdreg s2  }
0xb0: {  	[dreg:$0x4] =	wrdreg $0x68000  }
0xb1: {  	[dreg:$0x5] =	wrdreg $0x9  }
0xb2: {  	_ =	task.clear_ibuf [dreg:s7], $0x6FFFF;
	_ =	strace $0x90000049  }
0xb3: {  	s29 =	simm.s32 $0x9;
	_ =	strace $0x8000004B  }
0xb4: {  	_ =	swait.ge [sflag:s29], $0x1  }
0xb5: {  	[sflag:s29] =	ssyncadd.s32 $0xFFFFFFFF  }
0xb6: {  	_ =	strace $0x9000004B  }
0xb7: {  	_ =	sfence  }
0xb8: {  	s30 =	sld [smem:$0x0];
	_ =	sdelay $0x2  }
0xb9: {  	s31 =	sshll.u32 s1, $0xD;
	s1 =	sshrl.u32 s1, $0x2  }
0xba: {  	s3 =	sand.u32 $0x4000, s31;
	s1 =	sadd.s32 s1, s30  }
0xbb: {  	s0 =	sor.u32 s3, s0;
	s1 =	sshll.u32 s1, $0x11  }
0xbc: {  	s0 =	sor.u32 s1, s0  }
0xbd: {  	s0 =	sadd.s32 $0x8F2B, s0  }
0xbe: {  	[sflag:s0] =	ssyncadd.remote.s32 $0x1  }
0xbf: {  	_ =	sfence.sel $0xFFFF  }
0xc0: {  	[dreg:$0x0] =	wrdreg $0xFFFFFFFF;
	(pc) =	sbr.abs _section_cstart, $3  }
0xc1: {  	[dreg:$0x1] =	wrdreg $0xFFFFFFFF  }
0xc2: {  	_ =	task.clear_ibuf [dreg:s7], $0x2FFFF;
	_ =	strace $0x9FFFFFFF  }
0xc3: {  	(tm) =	ssettm $0x7FFFFFFF  }
tec
execute0_lowered:
.L_overlay_start_1:
0x0: {  	(tag) =	ssettag $0x1  }
0x1: {  	s4 =	rddreg [dreg:$0x0]  }
0x2: {  	s8 =	rddreg [dreg:$0x1]  }
0x3: {  	s2 =	rddreg [dreg:$0x2]  }
0x4: {  	s0 =	rddreg [dreg:$0x3];
	s3 =	simm.s32 $0x0;
	s1 =	stileid.u32  }
0x5: {  	s5 =	srdreg.scid;
	s13 =	simm.s32 $0x2;
	s14 =	simm.s32 $0x1400  }
0x6: {  	s18 =	simm.s32 $0x80;
	s19 =	simm.s32 $0x2800;
	s20 =	simm.s32 $0x1  }
0x7: {  	s22 =	simm.s32 $0x0;
	[smem:$0x7FF] =	sst s3;
	s6 =	smul.u32 $0x500, s1  }
0x8: {  	s5 =	sand.u32 $0x1, s5;
	s29 =	smul.u32 $0x50000, s1;
	s15 =	sadd.s32 $0x12C000, s2  }
0x9: {  	p0 =	seq.s32 s1, $0xF;
	_ =	strace $0x8000004A;
	s7 =	smul.u32 $0x27100, s5  }
0xa: {  	s5 =	ssub.s32 $0x2, s5;
	s16 =	sshll.u32 @!p0 s1, $0x6;
	s15 =	sshrl.u32 @p0 s15, $0x3  }
0xb: {  	s10 =	sadd.s32 s6, s4;
	s30 =	sshrl.u32 s5, $0x1;
	s31 =	sshrl.u32 s29, $0x2  }
0xc: {  	s16 =	sor.u32 @!p0 $0x1C02, s16;
	s11 =	sadd.s32 s7, s4;
	s4 =	smul.u32 $0x2800, s1  }
0xd: {  	s12 =	ssub.s32 s5, s30;
	s5 =	sadd.s32 $0x6A00, s10;
	s6 =	sadd.s32 $0x1A00, s10  }
0xe: {  	s17 =	sadd.s32 s31, s2;
	s10 =	sadd.s32 $0x6C80, s10;
	s9 =	sadd.s32 $0xBA00, s11  }
0xf: {  	s11 =	sadd.s32 $0x59C00, s11;
	s12 =	smax.u32 s12, $0x1;
	s17 =	sshrl.u32 @!p0 s17, $0x3  }
0x10: {  	s21 =	sadd.s32 $0x280, s6;
	s7 =	sadd.s32 s8, s4;
	s8 =	sadd.s32 $0x25800, s8  }
.LBB2_1:
0x11: {  	[tilespmem:s3], [sflag:$0x2] =	stream.linear.gather [hbm4b:s5+s3], $0x1400, $0x38;
	[tilespmem:$0x1A0C0] =	vst v63  }
0x12: {  	_ =	swait.ge [sflag:s13], $0x1400  }
0x13: {  	[sflag:s13] =	ssyncset.done $0x0  }
0x14: {  	[sflag:s13] =	ssyncadd.s32 $0xFFFFEC00  }
0x15: {  	[tilespmem:s14], [sflag:$0x2] =	stream.linear.gather [hbm4b:s6+s3], $0x1400, $0x38;
	[tilespmem:$0x1A0C0] =	vst v63  }
0x16: {  	_ =	swait.ge [sflag:s13], $0x1400  }
0x17: {  	[sflag:s13] =	ssyncset.done $0x0  }
0x18: {  	s23 =	simm.s32 @p0 $0x1FC2;
	[sflag:s13] =	ssyncadd.s32 $0xFFFFEC00  }
0x19: {  	[spmem:s15], [sflag:s23] =	dma.local @p0 [hbm:s8], $0x1900  }
0x1a: {  	s23 =	simm.s32 @p0 $0x2  }
0x1b: {  	_ =	swait.ge @p0 [sflag:s23], $0x1900  }
0x1c: {  	[sflag:s23] =	ssyncset.done @p0 $0x0  }
0x1d: {  	[sflag:s23] =	ssyncadd.s32 @p0 $0xFFFFE700;
	s23 =	simm.s32 @!p0 $0x2  }
0x1e: {  	[spmem:s17], [sflag:s16] =	dma.local @!p0 [hbm:s7], $0x2800  }
0x1f: {  	_ =	swait.ge @!p0 [sflag:s23], $0x2800  }
0x20: {  	[sflag:s23] =	ssyncset.done @!p0 $0x0  }
0x21: {  	[sflag:s23] =	ssyncadd.s32 @!p0 $0xFFFFD800  }
0x22: {  	s30 =	simm.s32 $0x0;
	[bflag:$0x0] =	sbarrier.arrive $0xFFFF  }
0x23: {  	[tilespmem:s19], [sflag:$0x1] =	stream.indirect.gather [hbm4b:s9+s18], $0x80, s30, s18, $0xb8;
	[tilespmem:$0x1A0C0] =	vst v63  }
0x24: {  	_ =	swait.ge [sflag:s20], $0x4000  }
0x25: {  	[sflag:s20] =	ssyncset.done $0x0  }
0x26: {  	s31 =	simm.s32 $0x1400;
	[sflag:s20] =	ssyncadd.s32 $0xFFFFC000  }
0x27: {  	[spmem:s2] =	stream.indirect.scatter.add.f32 [tilespmem:s19], [sflag:$0x2], $0x80, s31, s18, $0xb8;
	[tilespmem:$0x1A0C0] =	vst v63  }
0x28: {  	_ =	swait.ge [sflag:s13], $0x4000  }
0x29: {  	s24 =	simm.s32 $0x400;
	s23 =	simm.s32 $0x200;
	[sflag:s13] =	ssyncset.done $0x0  }
.LBB2_2:
0x2a: {  	s25 =	sshra.s32 s23, $0x2  }
0x2b: {  	[sflag:s13] =	ssyncadd.s32 $0xFFFFC000;
	s23 =	smov.u32 s24;
	s26 =	sadd.s32 $0x200, s24  }
0x2c: {  	[tilespmem:s19], [sflag:$0x1] =	stream.indirect.gather [hbm4b:s9+s18], $0x80, s25, s18, $0xb8;
	[tilespmem:$0x1A0C0] =	vst v63  }
0x2d: {  	p1 =	sne.s32 s24, $0x4E00;
	_ =	swait.ge [sflag:s20], $0x4000  }
.Ltmp0:
0x2e: {  	[sflag:s20] =	ssyncset.done $0x0;
	(pc) =	sbr.rel @p1 .LBB2_2-.Ltmp0, $4  }
0x2f: {  	s24 =	sadd.s32 $0x1400, s25;
	[sflag:s20] =	ssyncadd.s32 $0xFFFFC000  }
0x30: {  	[spmem:s2] =	stream.indirect.scatter.add.f32 [tilespmem:s19], [sflag:$0x2], $0x80, s24, s18, $0xb8;
	[tilespmem:$0x1A0C0] =	vst v63  }
0x31: {  	_ =	swait.ge [sflag:s13], $0x4000  }
0x32: {  	s24 =	smov.u32 s26;
	[sflag:s13] =	ssyncset.done $0x0  }
0x33: {  	s23 =	sshra.s32 s23, $0x2;
	[sflag:s13] =	ssyncadd.s32 $0xFFFFC000  }
0x34: {  	[tilespmem:s19], [sflag:$0x1] =	stream.indirect.gather [hbm4b:s9+s18], $0x80, s23, s18, $0xb8;
	[tilespmem:$0x1A0C0] =	vst v63  }
0x35: {  	_ =	swait.ge [sflag:s20], $0x4000  }
0x36: {  	[sflag:s20] =	ssyncset.done $0x0  }
0x37: {  	s23 =	sadd.s32 $0x1400, s23;
	[sflag:s20] =	ssyncadd.s32 $0xFFFFC000  }
0x38: {  	[spmem:s2] =	stream.indirect.scatter.add.f32 [tilespmem:s19], [sflag:$0x2], $0x80, s23, s18, $0xb8;
	[tilespmem:$0x1A0C0] =	vst v63  }
0x39: {  	_ =	swait.ge [sflag:s13], $0x4000  }
0x3a: {  	[sflag:s13] =	ssyncset.done $0x0  }
0x3b: {  	s29 =	simm.s32 $0x0;
	[sflag:s13] =	ssyncadd.s32 $0xFFFFC000  }
0x3c: {  	[tilespmem:s29], [sflag:$0x2] =	stream.linear.gather [hbm4b:s10+s29], $0x1400, $0x38;
	[tilespmem:$0x1A0C0] =	vst v63  }
0x3d: {  	_ =	swait.ge [sflag:s13], $0x1400  }
0x3e: {  	[sflag:s13] =	ssyncset.done $0x0  }
0x3f: {  	[sflag:s13] =	ssyncadd.s32 $0xFFFFEC00  }
0x40: {  	[tilespmem:s14], [sflag:$0x2] =	stream.linear.gather [hbm4b:s21+s29], $0x1400, $0x38;
	[tilespmem:$0x1A0C0] =	vst v63  }
0x41: {  	_ =	swait.ge [sflag:s13], $0x1400  }
0x42: {  	[sflag:s13] =	ssyncset.done $0x0  }
0x43: {  	s30 =	simm.s32 $0x0;
	[sflag:s13] =	ssyncadd.s32 $0xFFFFEC00  }
0x44: {  	[tilespmem:s19], [sflag:$0x1] =	stream.indirect.gather [hbm4b:s9+s18], $0x80, s30, s18, $0xb8;
	[tilespmem:$0x1A0C0] =	vst v63  }
0x45: {  	_ =	swait.ge [sflag:s20], $0x4000  }
0x46: {  	[sflag:s20] =	ssyncset.done $0x0  }
0x47: {  	s31 =	simm.s32 $0x1400;
	[sflag:s20] =	ssyncadd.s32 $0xFFFFC000  }
0x48: {  	[spmem:s2] =	stream.indirect.scatter.add.f32 [tilespmem:s19], [sflag:$0x2], $0x80, s31, s18, $0xb8;
	[tilespmem:$0x1A0C0] =	vst v63  }
0x49: {  	_ =	swait.ge [sflag:s13], $0x4000  }
0x4a: {  	s24 =	simm.s32 $0x400;
	s23 =	simm.s32 $0x200;
	[sflag:s13] =	ssyncset.done $0x0  }
.LBB2_4:
0x4b: {  	s25 =	sshra.s32 s23, $0x2  }
0x4c: {  	[sflag:s13] =	ssyncadd.s32 $0xFFFFC000;
	s23 =	smov.u32 s24;
	s26 =	sadd.s32 $0x200, s24  }
0x4d: {  	[tilespmem:s19], [sflag:$0x1] =	stream.indirect.gather [hbm4b:s9+s18], $0x80, s25, s18, $0xb8;
	[tilespmem:$0x1A0C0] =	vst v63  }
0x4e: {  	p1 =	sne.s32 s24, $0x4E00;
	_ =	swait.ge [sflag:s20], $0x4000  }
.Ltmp1:
0x4f: {  	[sflag:s20] =	ssyncset.done $0x0;
	(pc) =	sbr.rel @p1 .LBB2_4-.Ltmp1, $4  }
0x50: {  	s24 =	sadd.s32 $0x1400, s25;
	[sflag:s20] =	ssyncadd.s32 $0xFFFFC000  }
0x51: {  	[spmem:s2] =	stream.indirect.scatter.add.f32 [tilespmem:s19], [sflag:$0x2], $0x80, s24, s18, $0xb8;
	[tilespmem:$0x1A0C0] =	vst v63  }
0x52: {  	_ =	swait.ge [sflag:s13], $0x4000  }
0x53: {  	s24 =	smov.u32 s26;
	[sflag:s13] =	ssyncset.done $0x0  }
0x54: {  	s23 =	sshra.s32 s23, $0x2;
	[sflag:s13] =	ssyncadd.s32 $0xFFFFC000  }
0x55: {  	[tilespmem:s19], [sflag:$0x1] =	stream.indirect.gather [hbm4b:s9+s18], $0x80, s23, s18, $0xb8;
	[tilespmem:$0x1A0C0] =	vst v63  }
0x56: {  	_ =	swait.ge [sflag:s20], $0x4000  }
0x57: {  	[sflag:s20] =	ssyncset.done $0x0  }
0x58: {  	s23 =	sadd.s32 $0x1400, s23;
	[sflag:s20] =	ssyncadd.s32 $0xFFFFC000  }
0x59: {  	[spmem:s2] =	stream.indirect.scatter.add.f32 [tilespmem:s19], [sflag:$0x2], $0x80, s23, s18, $0xb8;
	[tilespmem:$0x1A0C0] =	vst v63  }
0x5a: {  	_ =	swait.ge [sflag:s13], $0x4000  }
0x5b: {  	[sflag:s13] =	ssyncset.done $0x0  }
0x5c: {  	[sflag:s13] =	ssyncadd.s32 $0xFFFFC000  }
0x5d: {  	s24 =	simm.s32 @p0 $0x1FC2;
	s23 =	sadd.s32 @p0 $0x25800, s11;
	[bflag:$0x0] =	sbarrier.arrive $0xFFFF  }
0x5e: {  	[hbm:s23], [sflag:s24] =	dma.local @p0 [spmem:s15], $0x1900  }
0x5f: {  	s23 =	simm.s32 @p0 $0x2  }
0x60: {  	_ =	swait.ge @p0 [sflag:s23], $0x1900  }
0x61: {  	s22 =	sadd.s32 $0x1, s22;
	[sflag:s23] =	ssyncset.done @p0 $0x0  }
0x62: {  	p1 =	sne.s32 s22, s12;
	[sflag:s23] =	ssyncadd.s32 @p0 $0xFFFFE700;
	s23 =	sadd.s32 @!p0 s4, s11  }
0x63: {  	[hbm:s23], [sflag:s16] =	dma.local @!p0 [spmem:s17], $0x2800  }
.Ltmp2:
0x64: {  	_ = 	snop;
	(pc) =	sbr.rel @p1 .LBB2_1-.Ltmp2, $4  }
0x65: {  	s23 =	simm.s32 @!p0 $0x2  }
0x66: {  	_ =	swait.ge @!p0 [sflag:s23], $0x2800  }
0x67: {  	[sflag:s23] =	ssyncset.done @!p0 $0x0  }
0x68: {  	[sflag:s23] =	ssyncadd.s32 @!p0 $0xFFFFD800  }
0x69: {  	_ =	sfence.sel $0x180000  }
0x6a: {  	[bflag:$0x0] =	sbarrier.arrive $0xFFFF  }
0x6b: {  	p0 =	sne.s32 s1, $0x0;
	_ =	strace $0x9000004A  }
0x6c: {  	s0 =	sadd.s32 @!p0 $0x100000, s0;
	[bflag:$0x2] =	sbarrier.arrive $0xFFFF  }
0x6d: {  	[sflag:s0] =	ssyncadd.tile.s32 @!p0 $0x1;
	_ =	shalt  }
.Lfunc_end2:
_tile_overlayer_lowered:
.L_overlay_start_2:
0x6e: {  	(tag) =	ssettag $0x2  }
0x6f: {  	s0 =	rddreg [dreg:$0x0];
	s2 =	stileid.u32  }
0x70: {  	s1 =	rddreg [dreg:$0x1];
	p0 =	sne.s32 s2, $0x0  }
0x71: {  	s3 =	rddreg [dreg:$0x2];
	[bflag:$0x3] =	sbarrier.arrive $0xFFFF;
	s2 =	simm.s32 @!p0 $0x1C02  }
0x72: {  	[timem:s3], [sflag:s2] =	dma.local @!p0 [hbm:s0], s1  }
0x73: {  	s0 =	simm.s32 @!p0 $0x2  }
0x74: {  	_ =	swait.ge @!p0 [sflag:s0], s1  }
0x75: {  	s1 =	ssub.s32 @!p0 $0x0, s1;
	[sflag:s0] =	ssyncset.done @!p0 $0x0  }
0x76: {  	[sflag:s0] =	ssyncadd.s32 @!p0 s1  }
0x77: {  	[bflag:$0x3] =	sbarrier.arrive $0xFFFF  }
0x78: {  	_ =	shalt  }

// kernel: kernel.14.cloned.1.call-start
scs
__scs_entry_jumppad:
0x0: {  	(pc) =	sbr.rel $0x88, $3  }
0x1: {  	(tag) =	ssettag $0x0;
	lr =	simm.s32 $0x1  }
0x2: {  	[smem:$0x3F9B] =	sst lr;
	_ =	strace $0xD0000000  }
0x3: {  	_ = 	snop  }
0x4: {  	_ = 	snop  }
0x5: {  	_ = 	snop  }
0x6: {  	_ = 	snop  }
0x7: {  	_ = 	snop  }
__scs_overlays_trampoline_lowered:
0x8: {  	[smem:$0x3FAA] =	sst s0  }
0x9: {  	[smem:$0x3FAB] =	sst s1  }
0xa: {  	[smem:$0x3FAC] =	sst s2  }
0xb: {  	[smem:$0x3FAD] =	sst s3  }
0xc: {  	[smem:$0x3FAE] =	sst s4  }
0xd: {  	[smem:$0x3FAF] =	sst s5  }
0xe: {  	[smem:$0x3FB0] =	sst s6  }
0xf: {  	[smem:$0x3FB1] =	sst s7  }
0x10: {  	[smem:$0x3FB2] =	sst s8  }
0x11: {  	[smem:$0x3FB3] =	sst s9;
	s0 =	simm.s32 @!p0 $0x0  }
0x12: {  	s1 =	sld [smem:$0x3F99];
	s0 =	simm.s32 @p0 $0x1  }
0x13: {  	[smem:$0x3FB4] =	sst s0;
	s0 =	simm.s32 @!p1 $0x0  }
0x14: {  	s2 =	sld [smem:$0x3F98];
	s0 =	simm.s32 @p1 $0x1  }
0x15: {  	[smem:$0x3FB5] =	sst s0;
	s0 =	simm.s32 @!p2 $0x0  }
0x16: {  	s3 =	sld [smem:$0x3FDB];
	s0 =	simm.s32 @p2 $0x1  }
0x17: {  	s4 =	simm.s32 $0x1BF5;
	[smem:$0x3FB7] =	sst s0  }
0x18: {  	s0 =	sld [smem:$0x3F9A];
	_ =	swait.ge [sflag:s4], $0x0  }
0x19: {  	s7 =	sld [smem:$0x3F9B]  }
0x1a: {  	s8 =	sadd.s32 $0xFFFFE003, lr  }
0x1b: {  	s9 =	sadd.s32 $0xFFFFFEF7, lr;
	s5 =	simm.s32 $0xFFFFFFFF;
	p2 =	slt.u32 s8, $0xFFFFF086  }
0x1c: {  	p1 =	slt.u32 s9, $0xF7A;
	s5 =	simm.s32 @!p2 $0x0  }
0x1d: {  	s5 =	simm.s32 @p1 $0x1;
	p0 =	seq.s32 s7, s2  }
0x1e: {  	s7 =	smul.u32 @!p0 $0xF7A, s2;
	p2 =	seq.s32 @!p0 s5, $0x0  }
0x1f: {  	s9 =	smul.u32 $0xF7A, s1;
	s8 =	simm.s32 @!p0 $0x1BF5;
	p2 =	por !p2, p0  }
0x20: {  	[sflag:s8] =	ssyncset.s32 @!p0 $0xFFFFF086;
	s6 =	sadd.s32 @!p0 s3, s7;
	s7 =	simm.s32 @!p0 $0x108  }
0x21: {  	s3 =	sadd.s32 s3, s9;
	s6 =	sadd.s32 @!p0 $0x88, s6;
	s7 =	simm.s32 @p2 $0x1082  }
0x22: {  	[simem:s7], [sflag:s8] =	dma.local @!p0 [hbm:s6], $0xF7A  }
0x23: {  	s9 =	sor.u32 $0xD0000000, s2;
	s6 =	simm.s32 $0x108;
	_ =	swait.ge @!p0 [sflag:s8], $0x0  }
0x24: {  	s3 =	sadd.s32 $0x88, s3;
	s6 =	simm.s32 @!p1 $0x1082;
	[sflag:s4] =	ssyncset.s32 $0xFFFFF086  }
0x25: {  	[simem:s6], [sflag:s4] =	dma.local [hbm:s3], $0xF7A  }
0x26: {  	[smem:$0x3F9B] =	sst s1;
	(tag) =	ssettag s2;
	_ =	strace s9  }
0x27: {  	s1 =	sld [smem:$0x3FAB]  }
0x28: {  	s2 =	sld [smem:$0x3FAC]  }
0x29: {  	s4 =	sld [smem:$0x3FAE]  }
0x2a: {  	p0 =	seq.s32 s5, $0x0;
	s5 =	sld [smem:$0x3FAF]  }
0x2b: {  	s6 =	sld [smem:$0x3FB0]  }
0x2c: {  	s7 =	sld [smem:$0x3FB1]  }
0x2d: {  	s3 =	simm.s32 $0x108;
	s8 =	sld [smem:$0x3FB2]  }
0x2e: {  	s3 =	simm.s32 @!p0 $0x1082;
	s9 =	sld [smem:$0x3FB3]  }
0x2f: {  	lr =	sadd.s32 s0, s3;
	s0 =	sld [smem:$0x3FAA]  }
0x30: {  	s3 =	sld [smem:$0x3FAD]  }
0x31: {  	[smem:$0x3FB6] =	sst s10  }
0x32: {  	s10 =	sld [smem:$0x3FB4];
	_ =	sdelay $0x3  }
0x33: {  	p0 =	seq.s32 s10, $0x1;
	s10 =	sld [smem:$0x3FB6];
	_ =	sdelay $0x3  }
0x34: {  	[smem:$0x3FB6] =	sst s10  }
0x35: {  	s10 =	sld [smem:$0x3FB5];
	_ =	sdelay $0x3  }
0x36: {  	p1 =	seq.s32 s10, $0x1;
	s10 =	sld [smem:$0x3FB6];
	_ =	sdelay $0x3  }
0x37: {  	[smem:$0x3FB6] =	sst s10  }
0x38: {  	s10 =	sld [smem:$0x3FB7]  }
0x39: {  	_ = 	snop;
	(pc) =	sbr.ind lr, $3  }
0x3a: {  	_ = 	snop  }
0x3b: {  	_ = 	snop  }
0x3c: {  	p2 =	seq.s32 s10, $0x1;
	s10 =	sld [smem:$0x3FB6]  }
0x3d: {  	_ =	shalt  }
0x3e: {  	_ =	shalt  }
0x3f: {  	_ =	shalt  }
0x40: {  	_ =	shalt  }
0x41: {  	_ =	shalt  }
0x42: {  	_ =	shalt  }
0x43: {  	_ =	shalt  }
0x44: {  	_ =	shalt  }
0x45: {  	_ =	shalt  }
0x46: {  	_ =	shalt  }
0x47: {  	_ =	shalt  }
0x48: {  	_ =	shalt  }
0x49: {  	_ =	shalt  }
0x4a: {  	_ =	shalt  }
0x4b: {  	_ =	shalt  }
0x4c: {  	_ =	shalt  }
0x4d: {  	_ =	shalt  }
0x4e: {  	_ =	shalt  }
0x4f: {  	_ =	shalt  }
0x50: {  	_ =	shalt  }
0x51: {  	_ =	shalt  }
0x52: {  	_ =	shalt  }
0x53: {  	_ =	shalt  }
0x54: {  	_ =	shalt  }
0x55: {  	_ =	shalt  }
0x56: {  	_ =	shalt  }
0x57: {  	_ =	shalt  }
0x58: {  	_ =	shalt  }
0x59: {  	_ =	shalt  }
0x5a: {  	_ =	shalt  }
0x5b: {  	_ =	shalt  }
0x5c: {  	_ =	shalt  }
0x5d: {  	_ =	shalt  }
0x5e: {  	_ =	shalt  }
0x5f: {  	_ =	shalt  }
0x60: {  	_ =	shalt  }
0x61: {  	_ =	shalt  }
0x62: {  	_ =	shalt  }
0x63: {  	_ =	shalt  }
0x64: {  	_ =	shalt  }
0x65: {  	_ =	shalt  }
0x66: {  	_ =	shalt  }
0x67: {  	_ =	shalt  }
0x68: {  	_ =	shalt  }
0x69: {  	_ =	shalt  }
0x6a: {  	_ =	shalt  }
0x6b: {  	_ =	shalt  }
0x6c: {  	_ =	shalt  }
0x6d: {  	_ =	shalt  }
0x6e: {  	_ =	shalt  }
0x6f: {  	_ =	shalt  }
0x70: {  	_ =	shalt  }
0x71: {  	_ =	shalt  }
0x72: {  	_ =	shalt  }
0x73: {  	_ =	shalt  }
0x74: {  	_ =	shalt  }
0x75: {  	_ =	shalt  }
0x76: {  	_ =	shalt  }
0x77: {  	_ =	shalt  }
0x78: {  	_ =	shalt  }
0x79: {  	_ =	shalt  }
0x7a: {  	_ =	shalt  }
0x7b: {  	_ =	shalt  }
0x7c: {  	_ =	shalt  }
0x7d: {  	_ =	shalt  }
0x7e: {  	_ =	shalt  }
0x7f: {  	_ =	shalt  }
0x80: {  	_ =	shalt  }
0x81: {  	_ =	shalt  }
0x82: {  	_ =	shalt  }
0x83: {  	_ =	shalt  }
0x84: {  	_ =	shalt  }
0x85: {  	_ =	shalt  }
0x86: {  	_ =	shalt  }
0x87: {  	_ =	shalt  }
.Lfunc_end0:
.L_simem_size_0:
called_computation.2_lowered:
.L_overlay_start_0:
0x88: {  	s2 =	sld [smem:$0x3FD9]  }
0x89: {  	s3 =	sld [smem:$0x3FFE];
	_ =	sdelay $0x1  }
0x8a: {  	s1 =	srdreg.scid  }
0x8b: {  	s0 =	sand.u32 $0x1, s1  }
0x8c: {  	s17 =	sshll.u32 s0, $0xA;
	s2 =	sadd.s32 s3, s2  }
0x8d: {  	s2 =	sadd.s32 s2, s17  }
0x8e: {  	[smem:$0x3FC2] =	sst s2  }
0x8f: {  	_ = 	snop  }
0x90: {  	s2 =	sld [smem:$0x3FD0];
	(tm) =	ssettm $0x1  }
0x91: {  	s18 =	sld [smem:$0x3FFB];
	_ =	sdelay $0x3  }
0x92: {  	_ =	strace s18  }
0x93: {  	s3 =	sld [smem:$0x3FFC];
	_ =	sdelay $0x3  }
0x94: {  	_ =	strace s3  }
0x95: {  	s3 =	sld [smem:$0x3FFD];
	_ =	sdelay $0x3  }
0x96: {  	_ =	strace s3  }
0x97: {  	_ =	strace $0x8FFFFFFF  }
0x98: {  	s19 =	sld [smem:$0x3FDB];
	_ =	sdelay $0x1  }
0x99: {  	s4 =	simm.s32 $_scs_section_size  }
0x9a: {  	s5 =	simm.s32 $_size__tile_overlayer_lowered;
	s6 =	simm.s32 $_tile_overlayer_lowered  }
0x9b: {  	s22 =	simm.s32 $0x1BFF;
	s21 =	sshll.u32 s6, $0x1;
	s3 =	sadd.s32 s4, s19  }
0x9c: {  	s7 =	simm.s32 $0x0;
	s20 =	sshll.u32 s5, $0x1;
	s5 =	sadd.s32 s21, s3  }
0x9d: {  	[timem:s7], [sflag:s22] =	dma.local [hbm:s5], s20  }
0x9e: {  	_ =	swait.ge [sflag:s22], s20  }
0x9f: {  	s4 =	ssub.s32 $0x0, s20;
	[sflag:s22] =	ssyncset.done $0x0  }
0xa0: {  	[sflag:s22] =	ssyncadd.s32 s4;
	_ =	sdelay $0x1  }
0xa1: {  	s23 =	simm.s32 $0x1B8B  }
0xa2: {  	_ =	swait.ge [sflag:s23], $0x1  }
0xa3: {  	[sflag:s23] =	ssyncset.done $0x0  }
0xa4: {  	s25 =	simm.s32 $0x1B8E;
	s24 =	sld [smem:$0x3FFE];
	[sflag:s23] =	ssyncadd.s32 $0xFFFFFFFF  }
0xa5: {  	s26 =	simm.s32 $execute0_lowered;
	[smem:$0x3FD2] =	sst s25  }
0xa6: {  	s5 =	sshll.u32 s26, $0x1;
	_ =	strace $0x8000004C;
	[dreg:$0x1] =	wrdreg $0xFFFFFFFF  }
0xa7: {  	s28 =	simm.s32 $_size_execute0_lowered;
	s3 =	sadd.s32 s3, s5;
	[dreg:$0x0] =	wrdreg $0x0  }
0xa8: {  	s5 =	sshll.u32 s28, $0x1;
	[dreg:$0x2] =	wrdreg s3  }
0xa9: {  	[dreg:$0x3] =	wrdreg s5  }
0xaa: {  	[dreg:$0x4] =	wrdreg $0xC0  }
0xab: {  	_ =	task [dreg:s7], $0x5FFFF  }
0xac: {  	[dreg:$0x1] =	wrdreg $0xFFFFFFFF  }
0xad: {  	[dreg:$0x0] =	wrdreg $0x60  }
0xae: {  	[dreg:$0x2] =	wrdreg s24  }
0xaf: {  	[dreg:$0x3] =	wrdreg s2  }
0xb0: {  	[dreg:$0x4] =	wrdreg $0x68000  }
0xb1: {  	[dreg:$0x5] =	wrdreg $0x9  }
0xb2: {  	_ =	task.clear_ibuf [dreg:s7], $0x6FFFF;
	_ =	strace $0x9000004C  }
0xb3: {  	s29 =	simm.s32 $0x9;
	_ =	strace $0x8000004E  }
0xb4: {  	_ =	swait.ge [sflag:s29], $0x1  }
0xb5: {  	[sflag:s29] =	ssyncadd.s32 $0xFFFFFFFF  }
0xb6: {  	_ =	strace $0x9000004E  }
0xb7: {  	_ =	sfence  }
0xb8: {  	s30 =	sld [smem:$0x0];
	_ =	sdelay $0x2  }
0xb9: {  	s31 =	sshll.u32 s1, $0xD;
	s1 =	sshrl.u32 s1, $0x2  }
0xba: {  	s3 =	sand.u32 $0x4000, s31;
	s1 =	sadd.s32 s1, s30  }
0xbb: {  	s0 =	sor.u32 s3, s0;
	s1 =	sshll.u32 s1, $0x11  }
0xbc: {  	s0 =	sor.u32 s1, s0  }
0xbd: {  	s0 =	sadd.s32 $0x8F2B, s0  }
0xbe: {  	[sflag:s0] =	ssyncadd.remote.s32 $0x1  }
0xbf: {  	_ =	sfence.sel $0xFFFF  }
0xc0: {  	[dreg:$0x0] =	wrdreg $0xFFFFFFFF;
	(pc) =	sbr.abs _section_cstart, $3  }
0xc1: {  	[dreg:$0x1] =	wrdreg $0xFFFFFFFF  }
0xc2: {  	_ =	task.clear_ibuf [dreg:s7], $0x2FFFF;
	_ =	strace $0x9FFFFFFF  }
0xc3: {  	(tm) =	ssettm $0x7FFFFFFF  }
tec
execute0_lowered:
.L_overlay_start_1:
0x0: {  	(tag) =	ssettag $0x1  }
0x1: {  	s5 =	rddreg [dreg:$0x0]  }
0x2: {  	s0 =	srdreg.scid;
	s8 =	rddreg [dreg:$0x1]  }
0x3: {  	s2 =	rddreg [dreg:$0x2];
	s1 =	stileid.u32  }
0x4: {  	s3 =	simm.s32 $0x0;
	s15 =	simm.s32 $0x80;
	s16 =	simm.s32 $0x2800  }
0x5: {  	s6 =	sand.u32 $0x1, s0;
	s0 =	rddreg [dreg:$0x3];
	s10 =	smul.u32 $0x50000, s1  }
0x6: {  	s17 =	simm.s32 $0x1;
	[smem:$0x7FF] =	sst s3;
	s19 =	smul.u32 $0x2800, s1  }
0x7: {  	s12 =	sadd.s32 $0x12C000, s2;
	p0 =	seq.s32 s1, $0xF;
	s4 =	sshll.u32 s6, $0x4  }
0x8: {  	_ =	strace $0x8000004D;
	s9 =	smul.u32 $0x27100, s6;
	s6 =	ssub.s32 $0x2, s6  }
0x9: {  	s13 =	sshll.u32 @!p0 s1, $0x6;
	s12 =	sshrl.u32 @p0 s12, $0x3;
	s4 =	sor.u32 s1, s4  }
0xa: {  	s31 =	sshrl.u32 s6, $0x1;
	s10 =	sshrl.u32 s10, $0x2;
	s13 =	sor.u32 @!p0 $0x1C02, s13  }
0xb: {  	s7 =	smul.u32 $0x280, s4;
	s4 =	sadd.s32 $0xBA00, s5;
	s9 =	sadd.s32 s9, s5  }
0xc: {  	s11 =	ssub.s32 s6, s31;
	s14 =	sadd.s32 s10, s2;
	s10 =	simm.s32 $0x2  }
0xd: {  	s20 =	sadd.s32 $0x32C00, s9;
	s9 =	smax.u32 s11, $0x1;
	s11 =	simm.s32 $0x1400  }
0xe: {  	s14 =	sshrl.u32 @!p0 s14, $0x3;
	s7 =	sadd.s32 s7, s5;
	s18 =	sadd.s32 @p0 $0x25800, s20  }
0xf: {  	s5 =	sadd.s32 $0x6A00, s7;
	s6 =	sadd.s32 $0x1A00, s7;
	s7 =	sadd.s32 s8, s19  }
0x10: {  	s8 =	sadd.s32 $0x25800, s8;
	s19 =	sadd.s32 @!p0 s19, s20;
	s20 =	simm.s32 $0x0  }
.LBB2_1:
0x11: {  	[tilespmem:s3], [sflag:$0x2] =	stream.linear.gather [hbm4b:s5+s3], $0x1400, $0x38;
	[tilespmem:$0x1A0C0] =	vst v63  }
0x12: {  	_ =	swait.ge [sflag:s10], $0x1400  }
0x13: {  	[sflag:s10] =	ssyncset.done $0x0  }
0x14: {  	[sflag:s10] =	ssyncadd.s32 $0xFFFFEC00  }
0x15: {  	[tilespmem:s11], [sflag:$0x2] =	stream.linear.gather [hbm4b:s6+s3], $0x1400, $0x38;
	[tilespmem:$0x1A0C0] =	vst v63  }
0x16: {  	_ =	swait.ge [sflag:s10], $0x1400  }
0x17: {  	[sflag:s10] =	ssyncset.done $0x0  }
0x18: {  	s21 =	simm.s32 @p0 $0x1FC2;
	[sflag:s10] =	ssyncadd.s32 $0xFFFFEC00  }
0x19: {  	[spmem:s12], [sflag:s21] =	dma.local @p0 [hbm:s8], $0x1900  }
0x1a: {  	s21 =	simm.s32 @p0 $0x2  }
0x1b: {  	_ =	swait.ge @p0 [sflag:s21], $0x1900  }
0x1c: {  	[sflag:s21] =	ssyncset.done @p0 $0x0  }
0x1d: {  	[sflag:s21] =	ssyncadd.s32 @p0 $0xFFFFE700;
	s21 =	simm.s32 @!p0 $0x2  }
0x1e: {  	[spmem:s14], [sflag:s13] =	dma.local @!p0 [hbm:s7], $0x2800  }
0x1f: {  	_ =	swait.ge @!p0 [sflag:s21], $0x2800  }
0x20: {  	[sflag:s21] =	ssyncset.done @!p0 $0x0  }
0x21: {  	[sflag:s21] =	ssyncadd.s32 @!p0 $0xFFFFD800  }
0x22: {  	s30 =	simm.s32 $0x0;
	[bflag:$0x0] =	sbarrier.arrive $0xFFFF  }
0x23: {  	[tilespmem:s16], [sflag:$0x1] =	stream.indirect.gather [hbm4b:s4+s15], $0x80, s30, s15, $0xb8;
	[tilespmem:$0x1A0C0] =	vst v63  }
0x24: {  	_ =	swait.ge [sflag:s17], $0x4000  }
0x25: {  	[sflag:s17] =	ssyncset.done $0x0  }
0x26: {  	s31 =	simm.s32 $0x1400;
	[sflag:s17] =	ssyncadd.s32 $0xFFFFC000  }
0x27: {  	[spmem:s2] =	stream.indirect.scatter.add.f32 [tilespmem:s16], [sflag:$0x2], $0x80, s31, s15, $0xb8;
	[tilespmem:$0x1A0C0] =	vst v63  }
0x28: {  	_ =	swait.ge [sflag:s10], $0x4000  }
0x29: {  	s22 =	simm.s32 $0x400;
	s21 =	simm.s32 $0x200;
	[sflag:s10] =	ssyncset.done $0x0  }
.LBB2_2:
0x2a: {  	s23 =	sshra.s32 s21, $0x2  }
0x2b: {  	[sflag:s10] =	ssyncadd.s32 $0xFFFFC000;
	s21 =	smov.u32 s22;
	s24 =	sadd.s32 $0x200, s22  }
0x2c: {  	[tilespmem:s16], [sflag:$0x1] =	stream.indirect.gather [hbm4b:s4+s15], $0x80, s23, s15, $0xb8;
	[tilespmem:$0x1A0C0] =	vst v63  }
0x2d: {  	p1 =	sne.s32 s22, $0x4E00;
	_ =	swait.ge [sflag:s17], $0x4000  }
.Ltmp0:
0x2e: {  	[sflag:s17] =	ssyncset.done $0x0;
	(pc) =	sbr.rel @p1 .LBB2_2-.Ltmp0, $4  }
0x2f: {  	s22 =	sadd.s32 $0x1400, s23;
	[sflag:s17] =	ssyncadd.s32 $0xFFFFC000  }
0x30: {  	[spmem:s2] =	stream.indirect.scatter.add.f32 [tilespmem:s16], [sflag:$0x2], $0x80, s22, s15, $0xb8;
	[tilespmem:$0x1A0C0] =	vst v63  }
0x31: {  	_ =	swait.ge [sflag:s10], $0x4000  }
0x32: {  	s22 =	smov.u32 s24;
	[sflag:s10] =	ssyncset.done $0x0  }
0x33: {  	s21 =	sshra.s32 s21, $0x2;
	[sflag:s10] =	ssyncadd.s32 $0xFFFFC000  }
0x34: {  	[tilespmem:s16], [sflag:$0x1] =	stream.indirect.gather [hbm4b:s4+s15], $0x80, s21, s15, $0xb8;
	[tilespmem:$0x1A0C0] =	vst v63  }
0x35: {  	_ =	swait.ge [sflag:s17], $0x4000  }
0x36: {  	[sflag:s17] =	ssyncset.done $0x0  }
0x37: {  	s21 =	sadd.s32 $0x1400, s21;
	[sflag:s17] =	ssyncadd.s32 $0xFFFFC000  }
0x38: {  	[spmem:s2] =	stream.indirect.scatter.add.f32 [tilespmem:s16], [sflag:$0x2], $0x80, s21, s15, $0xb8;
	[tilespmem:$0x1A0C0] =	vst v63  }
0x39: {  	_ =	swait.ge [sflag:s10], $0x4000  }
0x3a: {  	[sflag:s10] =	ssyncset.done $0x0  }
0x3b: {  	[sflag:s10] =	ssyncadd.s32 $0xFFFFC000  }
0x3c: {  	s21 =	simm.s32 @p0 $0x1FC2;
	[bflag:$0x0] =	sbarrier.arrive $0xFFFF  }
0x3d: {  	[hbm:s18], [sflag:s21] =	dma.local @p0 [spmem:s12], $0x1900  }
0x3e: {  	s21 =	simm.s32 @p0 $0x2  }
0x3f: {  	s20 =	sadd.s32 $0x1, s20;
	_ =	swait.ge @p0 [sflag:s21], $0x1900  }
0x40: {  	p1 =	sne.s32 s20, s9;
	[sflag:s21] =	ssyncset.done @p0 $0x0  }
.Ltmp1:
0x41: {  	[sflag:s21] =	ssyncadd.s32 @p0 $0xFFFFE700;
	s21 =	simm.s32 @!p0 $0x2;
	(pc) =	sbr.rel @p1 .LBB2_1-.Ltmp1, $4  }
0x42: {  	[hbm:s19], [sflag:s13] =	dma.local @!p0 [spmem:s14], $0x2800  }
0x43: {  	_ =	swait.ge @!p0 [sflag:s21], $0x2800  }
0x44: {  	[sflag:s21] =	ssyncset.done @!p0 $0x0  }
0x45: {  	[sflag:s21] =	ssyncadd.s32 @!p0 $0xFFFFD800  }
0x46: {  	_ =	sfence.sel $0x180000  }
0x47: {  	[bflag:$0x0] =	sbarrier.arrive $0xFFFF  }
0x48: {  	p0 =	sne.s32 s1, $0x0;
	_ =	strace $0x9000004D  }
0x49: {  	s0 =	sadd.s32 @!p0 $0x100000, s0;
	[bflag:$0x2] =	sbarrier.arrive $0xFFFF  }
0x4a: {  	[sflag:s0] =	ssyncadd.tile.s32 @!p0 $0x1;
	_ =	shalt  }
.Lfunc_end2:
_tile_overlayer_lowered:
.L_overlay_start_2:
0x4b: {  	(tag) =	ssettag $0x2  }
0x4c: {  	s0 =	rddreg [dreg:$0x0];
	s2 =	stileid.u32  }
0x4d: {  	s1 =	rddreg [dreg:$0x1];
	p0 =	sne.s32 s2, $0x0  }
0x4e: {  	s3 =	rddreg [dreg:$0x2];
	[bflag:$0x3] =	sbarrier.arrive $0xFFFF;
	s2 =	simm.s32 @!p0 $0x1C02  }
0x4f: {  	[timem:s3], [sflag:s2] =	dma.local @!p0 [hbm:s0], s1  }
0x50: {  	s0 =	simm.s32 @!p0 $0x2  }
0x51: {  	_ =	swait.ge @!p0 [sflag:s0], s1  }
0x52: {  	s1 =	ssub.s32 @!p0 $0x0, s1;
	[sflag:s0] =	ssyncset.done @!p0 $0x0  }
0x53: {  	[sflag:s0] =	ssyncadd.s32 @!p0 s1  }
0x54: {  	[bflag:$0x3] =	sbarrier.arrive $0xFFFF  }
0x55: {  	_ =	shalt  }

// kernel: kernel.8.cloned.1.call-start
scs
__scs_entry_jumppad:
0x0: {  	(pc) =	sbr.rel $0x88, $3  }
0x1: {  	(tag) =	ssettag $0x0;
	lr =	simm.s32 $0x1  }
0x2: {  	[smem:$0x3F9B] =	sst lr;
	_ =	strace $0xD0000000  }
0x3: {  	_ = 	snop  }
0x4: {  	_ = 	snop  }
0x5: {  	_ = 	snop  }
0x6: {  	_ = 	snop  }
0x7: {  	_ = 	snop  }
__scs_overlays_trampoline_lowered:
0x8: {  	[smem:$0x3FAA] =	sst s0  }
0x9: {  	[smem:$0x3FAB] =	sst s1  }
0xa: {  	[smem:$0x3FAC] =	sst s2  }
0xb: {  	[smem:$0x3FAD] =	sst s3  }
0xc: {  	[smem:$0x3FAE] =	sst s4  }
0xd: {  	[smem:$0x3FAF] =	sst s5  }
0xe: {  	[smem:$0x3FB0] =	sst s6  }
0xf: {  	[smem:$0x3FB1] =	sst s7  }
0x10: {  	[smem:$0x3FB2] =	sst s8  }
0x11: {  	[smem:$0x3FB3] =	sst s9;
	s0 =	simm.s32 @!p0 $0x0  }
0x12: {  	s1 =	sld [smem:$0x3F99];
	s0 =	simm.s32 @p0 $0x1  }
0x13: {  	[smem:$0x3FB4] =	sst s0;
	s0 =	simm.s32 @!p1 $0x0  }
0x14: {  	s2 =	sld [smem:$0x3F98];
	s0 =	simm.s32 @p1 $0x1  }
0x15: {  	[smem:$0x3FB5] =	sst s0;
	s0 =	simm.s32 @!p2 $0x0  }
0x16: {  	s3 =	sld [smem:$0x3FDB];
	s0 =	simm.s32 @p2 $0x1  }
0x17: {  	s4 =	simm.s32 $0x1BF5;
	[smem:$0x3FB7] =	sst s0  }
0x18: {  	s0 =	sld [smem:$0x3F9A];
	_ =	swait.ge [sflag:s4], $0x0  }
0x19: {  	s7 =	sld [smem:$0x3F9B]  }
0x1a: {  	s8 =	sadd.s32 $0xFFFFE003, lr  }
0x1b: {  	s9 =	sadd.s32 $0xFFFFFEF7, lr;
	s5 =	simm.s32 $0xFFFFFFFF;
	p2 =	slt.u32 s8, $0xFFFFF086  }
0x1c: {  	p1 =	slt.u32 s9, $0xF7A;
	s5 =	simm.s32 @!p2 $0x0  }
0x1d: {  	s5 =	simm.s32 @p1 $0x1;
	p0 =	seq.s32 s7, s2  }
0x1e: {  	s7 =	smul.u32 @!p0 $0xF7A, s2;
	p2 =	seq.s32 @!p0 s5, $0x0  }
0x1f: {  	s9 =	smul.u32 $0xF7A, s1;
	s8 =	simm.s32 @!p0 $0x1BF5;
	p2 =	por !p2, p0  }
0x20: {  	[sflag:s8] =	ssyncset.s32 @!p0 $0xFFFFF086;
	s6 =	sadd.s32 @!p0 s3, s7;
	s7 =	simm.s32 @!p0 $0x108  }
0x21: {  	s3 =	sadd.s32 s3, s9;
	s6 =	sadd.s32 @!p0 $0x88, s6;
	s7 =	simm.s32 @p2 $0x1082  }
0x22: {  	[simem:s7], [sflag:s8] =	dma.local @!p0 [hbm:s6], $0xF7A  }
0x23: {  	s9 =	sor.u32 $0xD0000000, s2;
	s6 =	simm.s32 $0x108;
	_ =	swait.ge @!p0 [sflag:s8], $0x0  }
0x24: {  	s3 =	sadd.s32 $0x88, s3;
	s6 =	simm.s32 @!p1 $0x1082;
	[sflag:s4] =	ssyncset.s32 $0xFFFFF086  }
0x25: {  	[simem:s6], [sflag:s4] =	dma.local [hbm:s3], $0xF7A  }
0x26: {  	[smem:$0x3F9B] =	sst s1;
	(tag) =	ssettag s2;
	_ =	strace s9  }
0x27: {  	s1 =	sld [smem:$0x3FAB]  }
0x28: {  	s2 =	sld [smem:$0x3FAC]  }
0x29: {  	s4 =	sld [smem:$0x3FAE]  }
0x2a: {  	p0 =	seq.s32 s5, $0x0;
	s5 =	sld [smem:$0x3FAF]  }
0x2b: {  	s6 =	sld [smem:$0x3FB0]  }
0x2c: {  	s7 =	sld [smem:$0x3FB1]  }
0x2d: {  	s3 =	simm.s32 $0x108;
	s8 =	sld [smem:$0x3FB2]  }
0x2e: {  	s3 =	simm.s32 @!p0 $0x1082;
	s9 =	sld [smem:$0x3FB3]  }
0x2f: {  	lr =	sadd.s32 s0, s3;
	s0 =	sld [smem:$0x3FAA]  }
0x30: {  	s3 =	sld [smem:$0x3FAD]  }
0x31: {  	[smem:$0x3FB6] =	sst s10  }
0x32: {  	s10 =	sld [smem:$0x3FB4];
	_ =	sdelay $0x3  }
0x33: {  	p0 =	seq.s32 s10, $0x1;
	s10 =	sld [smem:$0x3FB6];
	_ =	sdelay $0x3  }
0x34: {  	[smem:$0x3FB6] =	sst s10  }
0x35: {  	s10 =	sld [smem:$0x3FB5];
	_ =	sdelay $0x3  }
0x36: {  	p1 =	seq.s32 s10, $0x1;
	s10 =	sld [smem:$0x3FB6];
	_ =	sdelay $0x3  }
0x37: {  	[smem:$0x3FB6] =	sst s10  }
0x38: {  	s10 =	sld [smem:$0x3FB7]  }
0x39: {  	_ = 	snop;
	(pc) =	sbr.ind lr, $3  }
0x3a: {  	_ = 	snop  }
0x3b: {  	_ = 	snop  }
0x3c: {  	p2 =	seq.s32 s10, $0x1;
	s10 =	sld [smem:$0x3FB6]  }
0x3d: {  	_ =	shalt  }
0x3e: {  	_ =	shalt  }
0x3f: {  	_ =	shalt  }
0x40: {  	_ =	shalt  }
0x41: {  	_ =	shalt  }
0x42: {  	_ =	shalt  }
0x43: {  	_ =	shalt  }
0x44: {  	_ =	shalt  }
0x45: {  	_ =	shalt  }
0x46: {  	_ =	shalt  }
0x47: {  	_ =	shalt  }
0x48: {  	_ =	shalt  }
0x49: {  	_ =	shalt  }
0x4a: {  	_ =	shalt  }
0x4b: {  	_ =	shalt  }
0x4c: {  	_ =	shalt  }
0x4d: {  	_ =	shalt  }
0x4e: {  	_ =	shalt  }
0x4f: {  	_ =	shalt  }
0x50: {  	_ =	shalt  }
0x51: {  	_ =	shalt  }
0x52: {  	_ =	shalt  }
0x53: {  	_ =	shalt  }
0x54: {  	_ =	shalt  }
0x55: {  	_ =	shalt  }
0x56: {  	_ =	shalt  }
0x57: {  	_ =	shalt  }
0x58: {  	_ =	shalt  }
0x59: {  	_ =	shalt  }
0x5a: {  	_ =	shalt  }
0x5b: {  	_ =	shalt  }
0x5c: {  	_ =	shalt  }
0x5d: {  	_ =	shalt  }
0x5e: {  	_ =	shalt  }
0x5f: {  	_ =	shalt  }
0x60: {  	_ =	shalt  }
0x61: {  	_ =	shalt  }
0x62: {  	_ =	shalt  }
0x63: {  	_ =	shalt  }
0x64: {  	_ =	shalt  }
0x65: {  	_ =	shalt  }
0x66: {  	_ =	shalt  }
0x67: {  	_ =	shalt  }
0x68: {  	_ =	shalt  }
0x69: {  	_ =	shalt  }
0x6a: {  	_ =	shalt  }
0x6b: {  	_ =	shalt  }
0x6c: {  	_ =	shalt  }
0x6d: {  	_ =	shalt  }
0x6e: {  	_ =	shalt  }
0x6f: {  	_ =	shalt  }
0x70: {  	_ =	shalt  }
0x71: {  	_ =	shalt  }
0x72: {  	_ =	shalt  }
0x73: {  	_ =	shalt  }
0x74: {  	_ =	shalt  }
0x75: {  	_ =	shalt  }
0x76: {  	_ =	shalt  }
0x77: {  	_ =	shalt  }
0x78: {  	_ =	shalt  }
0x79: {  	_ =	shalt  }
0x7a: {  	_ =	shalt  }
0x7b: {  	_ =	shalt  }
0x7c: {  	_ =	shalt  }
0x7d: {  	_ =	shalt  }
0x7e: {  	_ =	shalt  }
0x7f: {  	_ =	shalt  }
0x80: {  	_ =	shalt  }
0x81: {  	_ =	shalt  }
0x82: {  	_ =	shalt  }
0x83: {  	_ =	shalt  }
0x84: {  	_ =	shalt  }
0x85: {  	_ =	shalt  }
0x86: {  	_ =	shalt  }
0x87: {  	_ =	shalt  }
.Lfunc_end0:
.L_simem_size_0:
called_computation_lowered:
.L_overlay_start_0:
0x88: {  	s2 =	sld [smem:$0x3FD9]  }
0x89: {  	s3 =	sld [smem:$0x3FFE];
	_ =	sdelay $0x1  }
0x8a: {  	s1 =	srdreg.scid  }
0x8b: {  	s0 =	sand.u32 $0x1, s1  }
0x8c: {  	s17 =	sshll.u32 s0, $0xA;
	s2 =	sadd.s32 s3, s2  }
0x8d: {  	s2 =	sadd.s32 s2, s17  }
0x8e: {  	[smem:$0x3FC2] =	sst s2  }
0x8f: {  	_ = 	snop  }
0x90: {  	s2 =	sld [smem:$0x3FD0];
	(tm) =	ssettm $0x1  }
0x91: {  	s18 =	sld [smem:$0x3FFB];
	_ =	sdelay $0x3  }
0x92: {  	_ =	strace s18  }
0x93: {  	s3 =	sld [smem:$0x3FFC];
	_ =	sdelay $0x3  }
0x94: {  	_ =	strace s3  }
0x95: {  	s3 =	sld [smem:$0x3FFD];
	_ =	sdelay $0x3  }
0x96: {  	_ =	strace s3  }
0x97: {  	_ =	strace $0x8FFFFFFF  }
0x98: {  	s19 =	sld [smem:$0x3FDB];
	_ =	sdelay $0x1  }
0x99: {  	s4 =	simm.s32 $_scs_section_size  }
0x9a: {  	s5 =	simm.s32 $_size__tile_overlayer_lowered;
	s6 =	simm.s32 $_tile_overlayer_lowered  }
0x9b: {  	s22 =	simm.s32 $0x1BFF;
	s21 =	sshll.u32 s6, $0x1;
	s3 =	sadd.s32 s4, s19  }
0x9c: {  	s7 =	simm.s32 $0x0;
	s20 =	sshll.u32 s5, $0x1;
	s5 =	sadd.s32 s21, s3  }
0x9d: {  	[timem:s7], [sflag:s22] =	dma.local [hbm:s5], s20  }
0x9e: {  	_ =	swait.ge [sflag:s22], s20  }
0x9f: {  	s4 =	ssub.s32 $0x0, s20;
	[sflag:s22] =	ssyncset.done $0x0  }
0xa0: {  	[sflag:s22] =	ssyncadd.s32 s4;
	_ =	sdelay $0x1  }
0xa1: {  	s23 =	simm.s32 $0x1B8B  }
0xa2: {  	_ =	swait.ge [sflag:s23], $0x1  }
0xa3: {  	[sflag:s23] =	ssyncset.done $0x0  }
0xa4: {  	s25 =	simm.s32 $0x1B8E;
	s24 =	sld [smem:$0x3FFE];
	[sflag:s23] =	ssyncadd.s32 $0xFFFFFFFF  }
0xa5: {  	s26 =	simm.s32 $execute0_lowered;
	[smem:$0x3FD2] =	sst s25  }
0xa6: {  	s5 =	sshll.u32 s26, $0x1;
	_ =	strace $0x80000046;
	[dreg:$0x1] =	wrdreg $0xFFFFFFFF  }
0xa7: {  	s28 =	simm.s32 $_size_execute0_lowered;
	s3 =	sadd.s32 s3, s5;
	[dreg:$0x0] =	wrdreg $0x0  }
0xa8: {  	s5 =	sshll.u32 s28, $0x1;
	[dreg:$0x2] =	wrdreg s3  }
0xa9: {  	[dreg:$0x3] =	wrdreg s5  }
0xaa: {  	[dreg:$0x4] =	wrdreg $0xC0  }
0xab: {  	_ =	task [dreg:s7], $0x5FFFF  }
0xac: {  	[dreg:$0x1] =	wrdreg $0xFFFFFFFF  }
0xad: {  	[dreg:$0x0] =	wrdreg $0x60  }
0xae: {  	[dreg:$0x2] =	wrdreg s24  }
0xaf: {  	[dreg:$0x3] =	wrdreg s2  }
0xb0: {  	[dreg:$0x4] =	wrdreg $0x54000  }
0xb1: {  	[dreg:$0x5] =	wrdreg $0x9  }
0xb2: {  	_ =	task.clear_ibuf [dreg:s7], $0x6FFFF;
	_ =	strace $0x90000046  }
0xb3: {  	s29 =	simm.s32 $0x9;
	_ =	strace $0x80000048  }
0xb4: {  	_ =	swait.ge [sflag:s29], $0x1  }
0xb5: {  	[sflag:s29] =	ssyncadd.s32 $0xFFFFFFFF  }
0xb6: {  	_ =	strace $0x90000048  }
0xb7: {  	_ =	sfence  }
0xb8: {  	s30 =	sld [smem:$0x0];
	_ =	sdelay $0x2  }
0xb9: {  	s31 =	sshll.u32 s1, $0xD;
	s1 =	sshrl.u32 s1, $0x2  }
0xba: {  	s3 =	sand.u32 $0x4000, s31;
	s1 =	sadd.s32 s1, s30  }
0xbb: {  	s0 =	sor.u32 s3, s0;
	s1 =	sshll.u32 s1, $0x11  }
0xbc: {  	s0 =	sor.u32 s1, s0  }
0xbd: {  	s0 =	sadd.s32 $0x8F2B, s0  }
0xbe: {  	[sflag:s0] =	ssyncadd.remote.s32 $0x1  }
0xbf: {  	_ =	sfence.sel $0xFFFF  }
0xc0: {  	[dreg:$0x0] =	wrdreg $0xFFFFFFFF;
	(pc) =	sbr.abs _section_cstart, $3  }
0xc1: {  	[dreg:$0x1] =	wrdreg $0xFFFFFFFF  }
0xc2: {  	_ =	task.clear_ibuf [dreg:s7], $0x2FFFF;
	_ =	strace $0x9FFFFFFF  }
0xc3: {  	(tm) =	ssettm $0x7FFFFFFF  }
tec
execute0_lowered:
.L_overlay_start_1:
0x0: {  	(tag) =	ssettag $0x1  }
0x1: {  	s5 =	rddreg [dreg:$0x0]  }
0x2: {  	s0 =	srdreg.scid;
	s7 =	rddreg [dreg:$0x1]  }
0x3: {  	s2 =	rddreg [dreg:$0x2];
	s1 =	stileid.u32  }
0x4: {  	s3 =	simm.s32 $0x0;
	s4 =	sand.u32 $0x1, s0;
	s0 =	rddreg [dreg:$0x3]  }
0x5: {  	s14 =	simm.s32 $0x80;
	[smem:$0x7FF] =	sst s3;
	s10 =	smul.u32 $0x50000, s1  }
0x6: {  	s16 =	smul.u32 $0x2800, s1;
	p0 =	seq.s32 s1, $0xF;
	s6 =	sshll.u32 s4, $0x4  }
0x7: {  	_ =	strace $0x80000047;
	s8 =	smul.u32 $0x27100, s4;
	s9 =	ssub.s32 $0x2, s4  }
0x8: {  	s4 =	sadd.s32 $0xBA00, s5;
	s12 =	sshll.u32 @!p0 s1, $0x6;
	s6 =	sor.u32 s1, s6  }
0x9: {  	s11 =	sshrl.u32 s9, $0x1;
	s10 =	sshrl.u32 s10, $0x2;
	s12 =	sor.u32 @!p0 $0x1C01, s12  }
0xa: {  	s6 =	smul.u32 $0x280, s6;
	s8 =	sadd.s32 s8, s5;
	s9 =	ssub.s32 s9, s11  }
0xb: {  	s13 =	sadd.s32 s10, s2;
	s11 =	sadd.s32 $0x12C000, s2;
	s10 =	simm.s32 $0x1400  }
0xc: {  	s17 =	sadd.s32 $0xC200, s8;
	s8 =	smax.u32 s9, $0x1;
	s9 =	simm.s32 $0x1  }
0xd: {  	s11 =	sshrl.u32 @p0 s11, $0x3;
	s13 =	sshrl.u32 @!p0 s13, $0x3;
	s6 =	sadd.s32 s6, s5  }
0xe: {  	s15 =	sadd.s32 @p0 $0x25800, s17;
	s5 =	sadd.s32 $0x1A00, s6;
	s6 =	sadd.s32 s7, s16  }
0xf: {  	s7 =	sadd.s32 $0x25800, s7;
	s16 =	sadd.s32 @!p0 s16, s17;
	s17 =	simm.s32 $0x0  }
.LBB2_1:
0x10: {  	[tilespmem:s3], [sflag:$0x1] =	stream.linear.gather [hbm4b:s5+s3], $0x1400, $0x38;
	[tilespmem:$0x18CC0] =	vst v63  }
0x11: {  	_ =	swait.ge [sflag:s9], $0x1400  }
0x12: {  	[sflag:s9] =	ssyncset.done $0x0  }
0x13: {  	[sflag:s9] =	ssyncadd.s32 $0xFFFFEC00  }
0x14: {  	[tilespmem:s10], [sflag:$0x1] =	stream.linear.gather [hbm4b:s4+s3], $0x4000, $0x38;
	[tilespmem:$0x18CC0] =	vst v63  }
0x15: {  	_ =	swait.ge [sflag:s9], $0x4000  }
0x16: {  	[sflag:s9] =	ssyncset.done $0x0  }
0x17: {  	s18 =	simm.s32 @p0 $0x1FC1;
	[sflag:s9] =	ssyncadd.s32 $0xFFFFC000  }
0x18: {  	[spmem:s11], [sflag:s18] =	dma.local @p0 [hbm:s7], $0x1900  }
0x19: {  	s18 =	simm.s32 @p0 $0x1  }
0x1a: {  	_ =	swait.ge @p0 [sflag:s18], $0x1900  }
0x1b: {  	[sflag:s18] =	ssyncset.done @p0 $0x0  }
0x1c: {  	[sflag:s18] =	ssyncadd.s32 @p0 $0xFFFFE700;
	s18 =	simm.s32 @!p0 $0x1  }
0x1d: {  	[spmem:s13], [sflag:s12] =	dma.local @!p0 [hbm:s6], $0x2800  }
0x1e: {  	_ =	swait.ge @!p0 [sflag:s18], $0x2800  }
0x1f: {  	[sflag:s18] =	ssyncset.done @!p0 $0x0  }
0x20: {  	[sflag:s18] =	ssyncadd.s32 @!p0 $0xFFFFD800  }
0x21: {  	s31 =	simm.s32 $0x0;
	[bflag:$0x0] =	sbarrier.arrive $0xFFFF  }
0x22: {  	[spmem:s2] =	stream.indirect.scatter.add.f32 [tilespmem:s10], [sflag:$0x1], $0x80, s31, s14, $0xb8;
	[tilespmem:$0x18CC0] =	vst v63  }
0x23: {  	_ =	swait.ge [sflag:s9], $0x4000  }
0x24: {  	s18 =	simm.s32 $0x200;
	[sflag:s9] =	ssyncset.done $0x0  }
.LBB2_2:
0x25: {  	s19 =	sshra.s32 s18, $0x2;
	[sflag:s9] =	ssyncadd.s32 $0xFFFFC000;
	p1 =	sne.s32 s18, $0x4E00  }
0x26: {  	[spmem:s2] =	stream.indirect.scatter.add.f32 [tilespmem:s10], [sflag:$0x1], $0x80, s19, s14, $0xb8;
	[tilespmem:$0x18CC0] =	vst v63  }
.Ltmp0:
0x27: {  	_ = 	snop;
	(pc) =	sbr.rel @p1 .LBB2_2-.Ltmp0, $4  }
0x28: {  	_ = 	snop  }
0x29: {  	s18 =	sadd.s32 $0x200, s18  }
0x2a: {  	_ =	swait.ge [sflag:s9], $0x4000  }
0x2b: {  	[sflag:s9] =	ssyncset.done $0x0  }
0x2c: {  	[sflag:s9] =	ssyncadd.s32 $0xFFFFC000  }
0x2d: {  	s18 =	simm.s32 @p0 $0x1FC1;
	[bflag:$0x0] =	sbarrier.arrive $0xFFFF  }
0x2e: {  	[hbm:s15], [sflag:s18] =	dma.local @p0 [spmem:s11], $0x1900  }
0x2f: {  	s18 =	simm.s32 @p0 $0x1  }
0x30: {  	s17 =	sadd.s32 $0x1, s17;
	_ =	swait.ge @p0 [sflag:s18], $0x1900  }
0x31: {  	p1 =	sne.s32 s17, s8;
	[sflag:s18] =	ssyncset.done @p0 $0x0  }
.Ltmp1:
0x32: {  	[sflag:s18] =	ssyncadd.s32 @p0 $0xFFFFE700;
	s18 =	simm.s32 @!p0 $0x1;
	(pc) =	sbr.rel @p1 .LBB2_1-.Ltmp1, $4  }
0x33: {  	[hbm:s16], [sflag:s12] =	dma.local @!p0 [spmem:s13], $0x2800  }
0x34: {  	_ =	swait.ge @!p0 [sflag:s18], $0x2800  }
0x35: {  	[sflag:s18] =	ssyncset.done @!p0 $0x0  }
0x36: {  	[sflag:s18] =	ssyncadd.s32 @!p0 $0xFFFFD800  }
0x37: {  	_ =	sfence.sel $0x180000  }
0x38: {  	[bflag:$0x0] =	sbarrier.arrive $0xFFFF  }
0x39: {  	p0 =	sne.s32 s1, $0x0;
	_ =	strace $0x90000047  }
0x3a: {  	s0 =	sadd.s32 @!p0 $0x100000, s0;
	[bflag:$0x2] =	sbarrier.arrive $0xFFFF  }
0x3b: {  	[sflag:s0] =	ssyncadd.tile.s32 @!p0 $0x1;
	_ =	shalt  }
.Lfunc_end2:
_tile_overlayer_lowered:
.L_overlay_start_2:
0x3c: {  	(tag) =	ssettag $0x2  }
0x3d: {  	s0 =	rddreg [dreg:$0x0];
	s2 =	stileid.u32  }
0x3e: {  	s1 =	rddreg [dreg:$0x1];
	p0 =	sne.s32 s2, $0x0  }
0x3f: {  	s3 =	rddreg [dreg:$0x2];
	[bflag:$0x3] =	sbarrier.arrive $0xFFFF;
	s2 =	simm.s32 @!p0 $0x1C01  }
0x40: {  	[timem:s3], [sflag:s2] =	dma.local @!p0 [hbm:s0], s1  }
0x41: {  	s0 =	simm.s32 @!p0 $0x1  }
0x42: {  	_ =	swait.ge @!p0 [sflag:s0], s1  }
0x43: {  	s1 =	ssub.s32 @!p0 $0x0, s1;
	[sflag:s0] =	ssyncset.done @!p0 $0x0  }
0x44: {  	[sflag:s0] =	ssyncadd.s32 @!p0 s1  }
0x45: {  	[bflag:$0x3] =	sbarrier.arrive $0xFFFF  }
0x46: {  	_ =	shalt  }

</sc_bundles>
